<compile_context>
chip_gen: v7x
topology: tpu7x:2x2x1
jax: 0.10.2.dev20260603
libtpu: 0.0.44.dev20260713+nightly
codegen_flags: <defaults>
</compile_context>

<pallas_src>
import functools

import jax
import jax.numpy as jnp
from jax import lax
from jax.experimental import pallas as pl
from jax.experimental.pallas import tpu as pltpu
from jax.experimental.pallas import tpu_sc as plsc

B = 16384
NINE = 9
NUM_EMB = 6
RANK = 128
TOTAL = B * NINE
NC = 2
NS = 16
NW = NC * NS
PER_W = TOTAL // NW
CHUNK = 128
NCHUNKS = PER_W // CHUNK


NBUF = 6
LOOK = 4
NGROUPS = NCHUNKS // NBUF


def _make_sc_kernel():
    mesh = plsc.VectorSubcoreMesh(core_axis_name="c", subcore_axis_name="s")

    @functools.partial(
        pl.kernel,
        mesh=mesh,
        out_type=jax.ShapeDtypeStruct((TOTAL, RANK), jnp.float32),
        scratch_types=[
            pltpu.VMEM((NCHUNKS, CHUNK), jnp.int32),
            pltpu.VMEM((NBUF, CHUNK, RANK), jnp.float32),
            pltpu.VMEM_SHARED((NS * NUM_EMB, RANK), jnp.float32),
        ]
        + [pltpu.SemaphoreType.DMA] * (2 * NBUF),
    )
    def k(table_hbm, idx_hbm, out_hbm, idx_v, rows_v, table_v, *sems):
        gsems = sems[:NBUF]
        osems = sems[NBUF:]
        sid = lax.axis_index("s")
        wid = sid * NC + lax.axis_index("c")

        t_copy = pltpu.make_async_copy(
            table_hbm, table_v.at[pl.ds(sid * NUM_EMB, NUM_EMB)], osems[0])
        t_copy.start()
        i_copy = pltpu.make_async_copy(idx_hbm.at[wid], idx_v, osems[1])
        i_copy.start()
        t_copy.wait()
        i_copy.wait()
        base = wid * PER_W

        def g_copy(cj, b):
            return pltpu.make_async_copy(
                table_v.at[idx_v.at[cj]], rows_v.at[b], gsems[b])

        def o_copy(cj, b):
            return pltpu.make_async_copy(
                rows_v.at[b],
                out_hbm.at[pl.ds(base + cj * CHUNK, CHUNK)],
                osems[b])

        def step(cj, b, wait_out, next_gather):
            g_copy(cj, b).wait()
            o_copy(cj, b).start()
            if wait_out:
                o_copy(cj - (NBUF - LOOK), (b + LOOK) % NBUF).wait()
            if next_gather:
                nj = cj + LOOK
                g_copy(nj, (b + LOOK) % NBUF).start()

        for cj in range(LOOK):
            g_copy(cj, cj).start()
        for b in range(NBUF):
            step(b, b, wait_out=(b >= NBUF - LOOK), next_gather=True)

        def body(g, _):
            cj0 = g * NBUF
            for b in range(NBUF):
                step(cj0 + b, b, wait_out=True, next_gather=True)
            return _

        lax.fori_loop(1, NGROUPS - 1, body, 0)

        cj0 = (NGROUPS - 1) * NBUF
        for b in range(NBUF):
            nj = cj0 + b + LOOK
            step(cj0 + b, b, wait_out=(nj < NCHUNKS), next_gather=(nj < NCHUNKS))
        for b in range(NBUF):
            o_copy(cj0 + b, b).wait()

    return k


_sc_gather = _make_sc_kernel()


def kernel(features, embedding):
    idx3 = features.reshape(NW, NCHUNKS, CHUNK).astype(jnp.int32)
    sub = (jnp.arange(NW, dtype=jnp.int32) // NC) * NUM_EMB
    idx3 = idx3 + sub[:, None, None]
    return _sc_gather(embedding, idx3)

# --- scband reference (transcript-rebuilt; emitter-appended) ---
"""Pipeline reference for scband-encoder-71691594105495 (READ-ONLY COPY).

The authoritative reference and input builder live on the scoring server;
editing this copy changes nothing except your own understanding.
"""

import jax, jax.numpy as jnp
import numpy as np

B = 16384
RANK = 128
NUM_EMB = 6

def setup_inputs(seed: int = 0) -> dict:
    key = jax.random.key(seed)
    k1, k2 = jax.random.split(key)
    features = jax.random.randint(k1, (B, 9), 0, NUM_EMB, dtype=jnp.int64 if jax.config.jax_enable_x64 else jnp.int32)
    embedding = jax.random.normal(k2, (NUM_EMB, RANK), dtype=jnp.float32)
    return {"features": features, "embedding": embedding}

def reference(features, embedding):
    # Encoder.forward with args.op_encoder == 'embed':
    # feats = self.dnn_embedding(features).reshape(features.shape[0] * 9, -1)
    feats = jnp.take(embedding, features, axis=0)  # [B, 9, RANK]
    feats = feats.reshape(features.shape[0] * 9, -1)  # [B*9, RANK]
    return feats

if __name__ == "__main__":
    import jax
    _d = setup_inputs()
    print(jax.jit(kernel)(*tuple(_d.values())))

</pallas_src>

<mosaic_0001>
#map = affine_map<(d0, d1) -> (0, 0)>
#map1 = affine_map<(d0, d1) -> (0, 0, 0)>
module attributes {stable_mosaic.version = 14 : i64} {
  func.func @k(%arg0: i32, %arg1: i32, %arg2: memref<6x128xf32, #tpu.memory_space<hbm>>, %arg3: memref<32x36x128xi32, #tpu.memory_space<hbm>>, %arg4: memref<147456x128xf32, #tpu.memory_space<hbm>>, %arg5: memref<36x128xi32, #tpu.memory_space<vmem>>, %arg6: memref<6x128x128xf32, #tpu.memory_space<vmem>>, %arg7: memref<96x128xf32, #tpu.memory_space<vmem_shared>>, %arg8: memref<!tpu.dma_semaphore, #tpu.memory_space<semaphore_mem>>, %arg9: memref<!tpu.dma_semaphore, #tpu.memory_space<semaphore_mem>>, %arg10: memref<!tpu.dma_semaphore, #tpu.memory_space<semaphore_mem>>, %arg11: memref<!tpu.dma_semaphore, #tpu.memory_space<semaphore_mem>>, %arg12: memref<!tpu.dma_semaphore, #tpu.memory_space<semaphore_mem>>, %arg13: memref<!tpu.dma_semaphore, #tpu.memory_space<semaphore_mem>>, %arg14: memref<!tpu.dma_semaphore, #tpu.memory_space<semaphore_mem>>, %arg15: memref<!tpu.dma_semaphore, #tpu.memory_space<semaphore_mem>>, %arg16: memref<!tpu.dma_semaphore, #tpu.memory_space<semaphore_mem>>, %arg17: memref<!tpu.dma_semaphore, #tpu.memory_space<semaphore_mem>>, %arg18: memref<!tpu.dma_semaphore, #tpu.memory_space<semaphore_mem>>, %arg19: memref<!tpu.dma_semaphore, #tpu.memory_space<semaphore_mem>>) attributes {dimension_semantics = [#tpu.dimension_semantics<core_parallel>, #tpu.dimension_semantics<subcore_parallel>], iteration_bounds = array<i64: 2, 16>, scalar_prefetch = 0 : i64, scratch_operands = 15 : i64, tpu.core_type = #tpu.core_type<sc_vector_subcore>, window_params = [{transform_indices = #map}, {transform_indices = #map1}, {transform_indices = #map}]} {
    %mul3A = arith.constant 2 : i32
    %mul3A_0 = arith.muli %arg1, %mul3A : i32
    %add3A = arith.addi %mul3A_0, %arg0 : i32
    %mul3A_1 = arith.constant 6 : i32
    %mul3A_2 = arith.muli %arg1, %mul3A_1 : i32
    %dma_start3A = arith.constant 0 : i32
    %dma_start3A_3 = tpu.memref_slice %arg7[%mul3A_2, %dma_start3A] : memref<96x128xf32, #tpu.memory_space<vmem_shared>> -> memref<6x128xf32, #tpu.memory_space<vmem_shared>>
    tpu.enqueue_dma source(%arg2 : memref<6x128xf32, #tpu.memory_space<hbm>>) target(%dma_start3A_3 : memref<6x128xf32, #tpu.memory_space<vmem_shared>>) target_semaphore(%arg14 : memref<!tpu.dma_semaphore, #tpu.memory_space<semaphore_mem>>)
    %dma_start3A_4 = arith.constant 0 : i32
    %dma_start3A_5 = arith.constant 0 : i32
    %dma_start3A_6 = tpu.memref_slice %arg3[%add3A, %dma_start3A_4, %dma_start3A_5] : memref<32x36x128xi32, #tpu.memory_space<hbm>> -> memref<1x36x128xi32, #tpu.memory_space<hbm>>
    %dma_start3A_7 = tpu.memref_squeeze %dma_start3A_6 : memref<1x36x128xi32, #tpu.memory_space<hbm>> -> memref<36x128xi32, #tpu.memory_space<hbm>>
    %dma_start3A_8 = arith.constant 0 : i32
    %dma_start3A_9 = arith.constant 0 : i32
    %dma_start3A_10 = tpu.memref_slice %arg3[%add3A, %dma_start3A_8, %dma_start3A_9] : memref<32x36x128xi32, #tpu.memory_space<hbm>> -> memref<1x36x128xi32, #tpu.memory_space<hbm>>
    %dma_start3A_11 = tpu.memref_squeeze %dma_start3A_10 : memref<1x36x128xi32, #tpu.memory_space<hbm>> -> memref<36x128xi32, #tpu.memory_space<hbm>>
    tpu.enqueue_dma source(%dma_start3A_11 : memref<36x128xi32, #tpu.memory_space<hbm>>) target(%arg5 : memref<36x128xi32, #tpu.memory_space<vmem>>) target_semaphore(%arg15 : memref<!tpu.dma_semaphore, #tpu.memory_space<semaphore_mem>>)
    %dma_wait3A = arith.constant 0 : i32
    %dma_wait3A_12 = tpu.memref_slice %arg7[%mul3A_2, %dma_wait3A] : memref<96x128xf32, #tpu.memory_space<vmem_shared>> -> memref<6x128xf32, #tpu.memory_space<vmem_shared>>
    tpu.wait_dma2 semaphore(%arg14 : memref<!tpu.dma_semaphore, #tpu.memory_space<semaphore_mem>>) src(%arg2 : memref<6x128xf32, #tpu.memory_space<hbm>>) dst(%dma_wait3A_12 : memref<6x128xf32, #tpu.memory_space<vmem_shared>>)
    %dma_wait3A_13 = arith.constant 0 : i32
    %dma_wait3A_14 = arith.constant 0 : i32
    %dma_wait3A_15 = tpu.memref_slice %arg3[%add3A, %dma_wait3A_13, %dma_wait3A_14] : memref<32x36x128xi32, #tpu.memory_space<hbm>> -> memref<1x36x128xi32, #tpu.memory_space<hbm>>
    %dma_wait3A_16 = tpu.memref_squeeze %dma_wait3A_15 : memref<1x36x128xi32, #tpu.memory_space<hbm>> -> memref<36x128xi32, #tpu.memory_space<hbm>>
    %dma_wait3A_17 = arith.constant 0 : i32
    %dma_wait3A_18 = arith.constant 0 : i32
    %dma_wait3A_19 = tpu.memref_slice %arg3[%add3A, %dma_wait3A_17, %dma_wait3A_18] : memref<32x36x128xi32, #tpu.memory_space<hbm>> -> memref<1x36x128xi32, #tpu.memory_space<hbm>>
    %dma_wait3A_20 = tpu.memref_squeeze %dma_wait3A_19 : memref<1x36x128xi32, #tpu.memory_space<hbm>> -> memref<36x128xi32, #tpu.memory_space<hbm>>
    tpu.wait_dma2 semaphore(%arg15 : memref<!tpu.dma_semaphore, #tpu.memory_space<semaphore_mem>>) src(%dma_wait3A_20 : memref<36x128xi32, #tpu.memory_space<hbm>>) dst(%arg5 : memref<36x128xi32, #tpu.memory_space<vmem>>)
    %mul3A_21 = arith.constant 4608 : i32
    %mul3A_22 = arith.muli %add3A, %mul3A_21 : i32
    %dma_start3A_23 = arith.constant 0 : i32
    %dma_start3A_24 = arith.constant 0 : i32
    %dma_start3A_25 = arith.constant 0 : i32
    %dma_start3A_26 = arith.constant 0 : i32
    %dma_start3A_27 = tpu.memref_slice %arg6[%dma_start3A_24, %dma_start3A_25, %dma_start3A_26] : memref<6x128x128xf32, #tpu.memory_space<vmem>> -> memref<1x128x128xf32, #tpu.memory_space<vmem>>
    %dma_start3A_28 = tpu.memref_squeeze %dma_start3A_27 : memref<1x128x128xf32, #tpu.memory_space<vmem>> -> memref<128x128xf32, #tpu.memory_space<vmem>>
    %dma_start3A_29 = arith.constant 0 : i32
    %dma_start3A_30 = tpu.memref_slice %arg5[%dma_start3A_23, %dma_start3A_29] : memref<36x128xi32, #tpu.memory_space<vmem>> -> memref<1x128xi32, #tpu.memory_space<vmem>>
    %dma_start3A_31 = tpu.memref_squeeze %dma_start3A_30 : memref<1x128xi32, #tpu.memory_space<vmem>> -> memref<128xi32, #tpu.memory_space<vmem>>
    %dma_start3A_32 = arith.constant 0 : i32
    %dma_start3A_33 = arith.constant 0 : i32
    %dma_start3A_34 = tpu.memref_slice %arg7[%dma_start3A_32, %dma_start3A_33] : memref<96x128xf32, #tpu.memory_space<vmem_shared>> -> memref<96x128xf32, #tpu.memory_space<vmem_shared>>
    tpu.enqueue_indirect_dma source(%dma_start3A_34 : memref<96x128xf32, #tpu.memory_space<vmem_shared>>) target(%dma_start3A_28 : memref<128x128xf32, #tpu.memory_space<vmem>>) offsets(%dma_start3A_31 : memref<128xi32, #tpu.memory_space<vmem>>) semaphore(%arg8 : memref<!tpu.dma_semaphore, #tpu.memory_space<semaphore_mem>>)
    %dma_start3A_35 = arith.constant 1 : i32
    %dma_start3A_36 = arith.constant 1 : i32
    %dma_start3A_37 = arith.constant 0 : i32
    %dma_start3A_38 = arith.constant 0 : i32
    %dma_start3A_39 = tpu.memref_slice %arg6[%dma_start3A_36, %dma_start3A_37, %dma_start3A_38] : memref<6x128x128xf32, #tpu.memory_space<vmem>> -> memref<1x128x128xf32, #tpu.memory_space<vmem>>
    %dma_start3A_40 = tpu.memref_squeeze %dma_start3A_39 : memref<1x128x128xf32, #tpu.memory_space<vmem>> -> memref<128x128xf32, #tpu.memory_space<vmem>>
    %dma_start3A_41 = arith.constant 0 : i32
    %dma_start3A_42 = tpu.memref_slice %arg5[%dma_start3A_35, %dma_start3A_41] : memref<36x128xi32, #tpu.memory_space<vmem>> -> memref<1x128xi32, #tpu.memory_space<vmem>>
    %dma_start3A_43 = tpu.memref_squeeze %dma_start3A_42 : memref<1x128xi32, #tpu.memory_space<vmem>> -> memref<128xi32, #tpu.memory_space<vmem>>
    %dma_start3A_44 = arith.constant 0 : i32
    %dma_start3A_45 = arith.constant 0 : i32
    %dma_start3A_46 = tpu.memref_slice %arg7[%dma_start3A_44, %dma_start3A_45] : memref<96x128xf32, #tpu.memory_space<vmem_shared>> -> memref<96x128xf32, #tpu.memory_space<vmem_shared>>
    tpu.enqueue_indirect_dma source(%dma_start3A_46 : memref<96x128xf32, #tpu.memory_space<vmem_shared>>) target(%dma_start3A_40 : memref<128x128xf32, #tpu.memory_space<vmem>>) offsets(%dma_start3A_43 : memref<128xi32, #tpu.memory_space<vmem>>) semaphore(%arg9 : memref<!tpu.dma_semaphore, #tpu.memory_space<semaphore_mem>>)
    %dma_start3A_47 = arith.constant 2 : i32
    %dma_start3A_48 = arith.constant 2 : i32
    %dma_start3A_49 = arith.constant 0 : i32
    %dma_start3A_50 = arith.constant 0 : i32
    %dma_start3A_51 = tpu.memref_slice %arg6[%dma_start3A_48, %dma_start3A_49, %dma_start3A_50] : memref<6x128x128xf32, #tpu.memory_space<vmem>> -> memref<1x128x128xf32, #tpu.memory_space<vmem>>
    %dma_start3A_52 = tpu.memref_squeeze %dma_start3A_51 : memref<1x128x128xf32, #tpu.memory_space<vmem>> -> memref<128x128xf32, #tpu.memory_space<vmem>>
    %dma_start3A_53 = arith.constant 0 : i32
    %dma_start3A_54 = tpu.memref_slice %arg5[%dma_start3A_47, %dma_start3A_53] : memref<36x128xi32, #tpu.memory_space<vmem>> -> memref<1x128xi32, #tpu.memory_space<vmem>>
    %dma_start3A_55 = tpu.memref_squeeze %dma_start3A_54 : memref<1x128xi32, #tpu.memory_space<vmem>> -> memref<128xi32, #tpu.memory_space<vmem>>
    %dma_start3A_56 = arith.constant 0 : i32
    %dma_start3A_57 = arith.constant 0 : i32
    %dma_start3A_58 = tpu.memref_slice %arg7[%dma_start3A_56, %dma_start3A_57] : memref<96x128xf32, #tpu.memory_space<vmem_shared>> -> memref<96x128xf32, #tpu.memory_space<vmem_shared>>
    tpu.enqueue_indirect_dma source(%dma_start3A_58 : memref<96x128xf32, #tpu.memory_space<vmem_shared>>) target(%dma_start3A_52 : memref<128x128xf32, #tpu.memory_space<vmem>>) offsets(%dma_start3A_55 : memref<128xi32, #tpu.memory_space<vmem>>) semaphore(%arg10 : memref<!tpu.dma_semaphore, #tpu.memory_space<semaphore_mem>>)
    %dma_start3A_59 = arith.constant 3 : i32
    %dma_start3A_60 = arith.constant 3 : i32
    %dma_start3A_61 = arith.constant 0 : i32
    %dma_start3A_62 = arith.constant 0 : i32
    %dma_start3A_63 = tpu.memref_slice %arg6[%dma_start3A_60, %dma_start3A_61, %dma_start3A_62] : memref<6x128x128xf32, #tpu.memory_space<vmem>> -> memref<1x128x128xf32, #tpu.memory_space<vmem>>
    %dma_start3A_64 = tpu.memref_squeeze %dma_start3A_63 : memref<1x128x128xf32, #tpu.memory_space<vmem>> -> memref<128x128xf32, #tpu.memory_space<vmem>>
    %dma_start3A_65 = arith.constant 0 : i32
    %dma_start3A_66 = tpu.memref_slice %arg5[%dma_start3A_59, %dma_start3A_65] : memref<36x128xi32, #tpu.memory_space<vmem>> -> memref<1x128xi32, #tpu.memory_space<vmem>>
    %dma_start3A_67 = tpu.memref_squeeze %dma_start3A_66 : memref<1x128xi32, #tpu.memory_space<vmem>> -> memref<128xi32, #tpu.memory_space<vmem>>
    %dma_start3A_68 = arith.constant 0 : i32
    %dma_start3A_69 = arith.constant 0 : i32
    %dma_start3A_70 = tpu.memref_slice %arg7[%dma_start3A_68, %dma_start3A_69] : memref<96x128xf32, #tpu.memory_space<vmem_shared>> -> memref<96x128xf32, #tpu.memory_space<vmem_shared>>
    tpu.enqueue_indirect_dma source(%dma_start3A_70 : memref<96x128xf32, #tpu.memory_space<vmem_shared>>) target(%dma_start3A_64 : memref<128x128xf32, #tpu.memory_space<vmem>>) offsets(%dma_start3A_67 : memref<128xi32, #tpu.memory_space<vmem>>) semaphore(%arg11 : memref<!tpu.dma_semaphore, #tpu.memory_space<semaphore_mem>>)
    %dma_wait3A_71 = arith.constant 0 : i32
    %dma_wait3A_72 = arith.constant 0 : i32
    %dma_wait3A_73 = arith.constant 0 : i32
    %dma_wait3A_74 = arith.constant 0 : i32
    %dma_wait3A_75 = tpu.memref_slice %arg6[%dma_wait3A_72, %dma_wait3A_73, %dma_wait3A_74] : memref<6x128x128xf32, #tpu.memory_space<vmem>> -> memref<1x128x128xf32, #tpu.memory_space<vmem>>
    %dma_wait3A_76 = tpu.memref_squeeze %dma_wait3A_75 : memref<1x128x128xf32, #tpu.memory_space<vmem>> -> memref<128x128xf32, #tpu.memory_space<vmem>>
    %dma_wait3A_77 = arith.constant 0 : i32
    %dma_wait3A_78 = tpu.memref_slice %arg5[%dma_wait3A_71, %dma_wait3A_77] : memref<36x128xi32, #tpu.memory_space<vmem>> -> memref<1x128xi32, #tpu.memory_space<vmem>>
    %dma_wait3A_79 = tpu.memref_squeeze %dma_wait3A_78 : memref<1x128xi32, #tpu.memory_space<vmem>> -> memref<128xi32, #tpu.memory_space<vmem>>
    %dma_wait3A_80 = arith.constant 0 : i32
    %dma_wait3A_81 = arith.constant 0 : i32
    %dma_wait3A_82 = tpu.memref_slice %arg7[%dma_wait3A_80, %dma_wait3A_81] : memref<96x128xf32, #tpu.memory_space<vmem_shared>> -> memref<96x128xf32, #tpu.memory_space<vmem_shared>>
    tpu.wait_indirect_dma semaphore(%arg8 : memref<!tpu.dma_semaphore, #tpu.memory_space<semaphore_mem>>) src(%dma_wait3A_82 : memref<96x128xf32, #tpu.memory_space<vmem_shared>>) dst(%dma_wait3A_76 : memref<128x128xf32, #tpu.memory_space<vmem>>)
    %add3A_83 = arith.constant 0 : i32
    %add3A_84 = arith.addi %mul3A_22, %add3A_83 : i32
    %dma_start3A_85 = arith.constant 0 : i32
    %dma_start3A_86 = arith.constant 0 : i32
    %dma_start3A_87 = arith.constant 0 : i32
    %dma_start3A_88 = tpu.memref_slice %arg6[%dma_start3A_85, %dma_start3A_86, %dma_start3A_87] : memref<6x128x128xf32, #tpu.memory_space<vmem>> -> memref<1x128x128xf32, #tpu.memory_space<vmem>>
    %dma_start3A_89 = tpu.memref_squeeze %dma_start3A_88 : memref<1x128x128xf32, #tpu.memory_space<vmem>> -> memref<128x128xf32, #tpu.memory_space<vmem>>
    %dma_start3A_90 = arith.constant 0 : i32
    %dma_start3A_91 = tpu.memref_slice %arg4[%add3A_84, %dma_start3A_90] : memref<147456x128xf32, #tpu.memory_space<hbm>> -> memref<128x128xf32, #tpu.memory_space<hbm>>
    %dma_start3A_92 = arith.constant 0 : i32
    %dma_start3A_93 = tpu.memref_slice %arg4[%add3A_84, %dma_start3A_92] : memref<147456x128xf32, #tpu.memory_space<hbm>> -> memref<128x128xf32, #tpu.memory_space<hbm>>
    %dma_start3A_94 = arith.constant 0 : i32
    %dma_start3A_95 = arith.constant 0 : i32
    %dma_start3A_96 = tpu.memref_slice %arg6[%dma_start3A_85, %dma_start3A_94, %dma_start3A_95] : memref<6x128x128xf32, #tpu.memory_space<vmem>> -> memref<1x128x128xf32, #tpu.memory_space<vmem>>
    %dma_start3A_97 = tpu.memref_squeeze %dma_start3A_96 : memref<1x128x128xf32, #tpu.memory_space<vmem>> -> memref<128x128xf32, #tpu.memory_space<vmem>>
    tpu.enqueue_dma source(%dma_start3A_97 : memref<128x128xf32, #tpu.memory_space<vmem>>) target(%dma_start3A_93 : memref<128x128xf32, #tpu.memory_space<hbm>>) target_semaphore(%arg14 : memref<!tpu.dma_semaphore, #tpu.memory_space<semaphore_mem>>)
    %dma_start3A_98 = arith.constant 4 : i32
    %dma_start3A_99 = arith.constant 4 : i32
    %dma_start3A_100 = arith.constant 0 : i32
    %dma_start3A_101 = arith.constant 0 : i32
    %dma_start3A_102 = tpu.memref_slice %arg6[%dma_start3A_99, %dma_start3A_100, %dma_start3A_101] : memref<6x128x128xf32, #tpu.memory_space<vmem>> -> memref<1x128x128xf32, #tpu.memory_space<vmem>>
    %dma_start3A_103 = tpu.memref_squeeze %dma_start3A_102 : memref<1x128x128xf32, #tpu.memory_space<vmem>> -> memref<128x128xf32, #tpu.memory_space<vmem>>
    %dma_start3A_104 = arith.constant 0 : i32
    %dma_start3A_105 = tpu.memref_slice %arg5[%dma_start3A_98, %dma_start3A_104] : memref<36x128xi32, #tpu.memory_space<vmem>> -> memref<1x128xi32, #tpu.memory_space<vmem>>
    %dma_start3A_106 = tpu.memref_squeeze %dma_start3A_105 : memref<1x128xi32, #tpu.memory_space<vmem>> -> memref<128xi32, #tpu.memory_space<vmem>>
    %dma_start3A_107 = arith.constant 0 : i32
    %dma_start3A_108 = arith.constant 0 : i32
    %dma_start3A_109 = tpu.memref_slice %arg7[%dma_start3A_107, %dma_start3A_108] : memref<96x128xf32, #tpu.memory_space<vmem_shared>> -> memref<96x128xf32, #tpu.memory_space<vmem_shared>>
    tpu.enqueue_indirect_dma source(%dma_start3A_109 : memref<96x128xf32, #tpu.memory_space<vmem_shared>>) target(%dma_start3A_103 : memref<128x128xf32, #tpu.memory_space<vmem>>) offsets(%dma_start3A_106 : memref<128xi32, #tpu.memory_space<vmem>>) semaphore(%arg12 : memref<!tpu.dma_semaphore, #tpu.memory_space<semaphore_mem>>)
    %dma_wait3A_110 = arith.constant 1 : i32
    %dma_wait3A_111 = arith.constant 1 : i32
    %dma_wait3A_112 = arith.constant 0 : i32
    %dma_wait3A_113 = arith.constant 0 : i32
    %dma_wait3A_114 = tpu.memref_slice %arg6[%dma_wait3A_111, %dma_wait3A_112, %dma_wait3A_113] : memref<6x128x128xf32, #tpu.memory_space<vmem>> -> memref<1x128x128xf32, #tpu.memory_space<vmem>>
    %dma_wait3A_115 = tpu.memref_squeeze %dma_wait3A_114 : memref<1x128x128xf32, #tpu.memory_space<vmem>> -> memref<128x128xf32, #tpu.memory_space<vmem>>
    %dma_wait3A_116 = arith.constant 0 : i32
    %dma_wait3A_117 = tpu.memref_slice %arg5[%dma_wait3A_110, %dma_wait3A_116] : memref<36x128xi32, #tpu.memory_space<vmem>> -> memref<1x128xi32, #tpu.memory_space<vmem>>
    %dma_wait3A_118 = tpu.memref_squeeze %dma_wait3A_117 : memref<1x128xi32, #tpu.memory_space<vmem>> -> memref<128xi32, #tpu.memory_space<vmem>>
    %dma_wait3A_119 = arith.constant 0 : i32
    %dma_wait3A_120 = arith.constant 0 : i32
    %dma_wait3A_121 = tpu.memref_slice %arg7[%dma_wait3A_119, %dma_wait3A_120] : memref<96x128xf32, #tpu.memory_space<vmem_shared>> -> memref<96x128xf32, #tpu.memory_space<vmem_shared>>
    tpu.wait_indirect_dma semaphore(%arg9 : memref<!tpu.dma_semaphore, #tpu.memory_space<semaphore_mem>>) src(%dma_wait3A_121 : memref<96x128xf32, #tpu.memory_space<vmem_shared>>) dst(%dma_wait3A_115 : memref<128x128xf32, #tpu.memory_space<vmem>>)
    %add3A_122 = arith.constant 128 : i32
    %add3A_123 = arith.addi %mul3A_22, %add3A_122 : i32
    %dma_start3A_124 = arith.constant 1 : i32
    %dma_start3A_125 = arith.constant 0 : i32
    %dma_start3A_126 = arith.constant 0 : i32
    %dma_start3A_127 = tpu.memref_slice %arg6[%dma_start3A_124, %dma_start3A_125, %dma_start3A_126] : memref<6x128x128xf32, #tpu.memory_space<vmem>> -> memref<1x128x128xf32, #tpu.memory_space<vmem>>
    %dma_start3A_128 = tpu.memref_squeeze %dma_start3A_127 : memref<1x128x128xf32, #tpu.memory_space<vmem>> -> memref<128x128xf32, #tpu.memory_space<vmem>>
    %dma_start3A_129 = arith.constant 0 : i32
    %dma_start3A_130 = tpu.memref_slice %arg4[%add3A_123, %dma_start3A_129] : memref<147456x128xf32, #tpu.memory_space<hbm>> -> memref<128x128xf32, #tpu.memory_space<hbm>>
    %dma_start3A_131 = arith.constant 0 : i32
    %dma_start3A_132 = tpu.memref_slice %arg4[%add3A_123, %dma_start3A_131] : memref<147456x128xf32, #tpu.memory_space<hbm>> -> memref<128x128xf32, #tpu.memory_space<hbm>>
    %dma_start3A_133 = arith.constant 0 : i32
    %dma_start3A_134 = arith.constant 0 : i32
    %dma_start3A_135 = tpu.memref_slice %arg6[%dma_start3A_124, %dma_start3A_133, %dma_start3A_134] : memref<6x128x128xf32, #tpu.memory_space<vmem>> -> memref<1x128x128xf32, #tpu.memory_space<vmem>>
    %dma_start3A_136 = tpu.memref_squeeze %dma_start3A_135 : memref<1x128x128xf32, #tpu.memory_space<vmem>> -> memref<128x128xf32, #tpu.memory_space<vmem>>
    tpu.enqueue_dma source(%dma_start3A_136 : memref<128x128xf32, #tpu.memory_space<vmem>>) target(%dma_start3A_132 : memref<128x128xf32, #tpu.memory_space<hbm>>) target_semaphore(%arg15 : memref<!tpu.dma_semaphore, #tpu.memory_space<semaphore_mem>>)
    %dma_start3A_137 = arith.constant 5 : i32
    %dma_start3A_138 = arith.constant 5 : i32
    %dma_start3A_139 = arith.constant 0 : i32
    %dma_start3A_140 = arith.constant 0 : i32
    %dma_start3A_141 = tpu.memref_slice %arg6[%dma_start3A_138, %dma_start3A_139, %dma_start3A_140] : memref<6x128x128xf32, #tpu.memory_space<vmem>> -> memref<1x128x128xf32, #tpu.memory_space<vmem>>
    %dma_start3A_142 = tpu.memref_squeeze %dma_start3A_141 : memref<1x128x128xf32, #tpu.memory_space<vmem>> -> memref<128x128xf32, #tpu.memory_space<vmem>>
    %dma_start3A_143 = arith.constant 0 : i32
    %dma_start3A_144 = tpu.memref_slice %arg5[%dma_start3A_137, %dma_start3A_143] : memref<36x128xi32, #tpu.memory_space<vmem>> -> memref<1x128xi32, #tpu.memory_space<vmem>>
    %dma_start3A_145 = tpu.memref_squeeze %dma_start3A_144 : memref<1x128xi32, #tpu.memory_space<vmem>> -> memref<128xi32, #tpu.memory_space<vmem>>
    %dma_start3A_146 = arith.constant 0 : i32
    %dma_start3A_147 = arith.constant 0 : i32
    %dma_start3A_148 = tpu.memref_slice %arg7[%dma_start3A_146, %dma_start3A_147] : memref<96x128xf32, #tpu.memory_space<vmem_shared>> -> memref<96x128xf32, #tpu.memory_space<vmem_shared>>
    tpu.enqueue_indirect_dma source(%dma_start3A_148 : memref<96x128xf32, #tpu.memory_space<vmem_shared>>) target(%dma_start3A_142 : memref<128x128xf32, #tpu.memory_space<vmem>>) offsets(%dma_start3A_145 : memref<128xi32, #tpu.memory_space<vmem>>) semaphore(%arg13 : memref<!tpu.dma_semaphore, #tpu.memory_space<semaphore_mem>>)
    %dma_wait3A_149 = arith.constant 2 : i32
    %dma_wait3A_150 = arith.constant 2 : i32
    %dma_wait3A_151 = arith.constant 0 : i32
    %dma_wait3A_152 = arith.constant 0 : i32
    %dma_wait3A_153 = tpu.memref_slice %arg6[%dma_wait3A_150, %dma_wait3A_151, %dma_wait3A_152] : memref<6x128x128xf32, #tpu.memory_space<vmem>> -> memref<1x128x128xf32, #tpu.memory_space<vmem>>
    %dma_wait3A_154 = tpu.memref_squeeze %dma_wait3A_153 : memref<1x128x128xf32, #tpu.memory_space<vmem>> -> memref<128x128xf32, #tpu.memory_space<vmem>>
    %dma_wait3A_155 = arith.constant 0 : i32
    %dma_wait3A_156 = tpu.memref_slice %arg5[%dma_wait3A_149, %dma_wait3A_155] : memref<36x128xi32, #tpu.memory_space<vmem>> -> memref<1x128xi32, #tpu.memory_space<vmem>>
    %dma_wait3A_157 = tpu.memref_squeeze %dma_wait3A_156 : memref<1x128xi32, #tpu.memory_space<vmem>> -> memref<128xi32, #tpu.memory_space<vmem>>
    %dma_wait3A_158 = arith.constant 0 : i32
    %dma_wait3A_159 = arith.constant 0 : i32
    %dma_wait3A_160 = tpu.memref_slice %arg7[%dma_wait3A_158, %dma_wait3A_159] : memref<96x128xf32, #tpu.memory_space<vmem_shared>> -> memref<96x128xf32, #tpu.memory_space<vmem_shared>>
    tpu.wait_indirect_dma semaphore(%arg10 : memref<!tpu.dma_semaphore, #tpu.memory_space<semaphore_mem>>) src(%dma_wait3A_160 : memref<96x128xf32, #tpu.memory_space<vmem_shared>>) dst(%dma_wait3A_154 : memref<128x128xf32, #tpu.memory_space<vmem>>)
    %add3A_161 = arith.constant 256 : i32
    %add3A_162 = arith.addi %mul3A_22, %add3A_161 : i32
    %dma_start3A_163 = arith.constant 2 : i32
    %dma_start3A_164 = arith.constant 0 : i32
    %dma_start3A_165 = arith.constant 0 : i32
    %dma_start3A_166 = tpu.memref_slice %arg6[%dma_start3A_163, %dma_start3A_164, %dma_start3A_165] : memref<6x128x128xf32, #tpu.memory_space<vmem>> -> memref<1x128x128xf32, #tpu.memory_space<vmem>>
    %dma_start3A_167 = tpu.memref_squeeze %dma_start3A_166 : memref<1x128x128xf32, #tpu.memory_space<vmem>> -> memref<128x128xf32, #tpu.memory_space<vmem>>
    %dma_start3A_168 = arith.constant 0 : i32
    %dma_start3A_169 = tpu.memref_slice %arg4[%add3A_162, %dma_start3A_168] : memref<147456x128xf32, #tpu.memory_space<hbm>> -> memref<128x128xf32, #tpu.memory_space<hbm>>
    %dma_start3A_170 = arith.constant 0 : i32
    %dma_start3A_171 = tpu.memref_slice %arg4[%add3A_162, %dma_start3A_170] : memref<147456x128xf32, #tpu.memory_space<hbm>> -> memref<128x128xf32, #tpu.memory_space<hbm>>
    %dma_start3A_172 = arith.constant 0 : i32
    %dma_start3A_173 = arith.constant 0 : i32
    %dma_start3A_174 = tpu.memref_slice %arg6[%dma_start3A_163, %dma_start3A_172, %dma_start3A_173] : memref<6x128x128xf32, #tpu.memory_space<vmem>> -> memref<1x128x128xf32, #tpu.memory_space<vmem>>
    %dma_start3A_175 = tpu.memref_squeeze %dma_start3A_174 : memref<1x128x128xf32, #tpu.memory_space<vmem>> -> memref<128x128xf32, #tpu.memory_space<vmem>>
    tpu.enqueue_dma source(%dma_start3A_175 : memref<128x128xf32, #tpu.memory_space<vmem>>) target(%dma_start3A_171 : memref<128x128xf32, #tpu.memory_space<hbm>>) target_semaphore(%arg16 : memref<!tpu.dma_semaphore, #tpu.memory_space<semaphore_mem>>)
    %add3A_176 = arith.constant 0 : i32
    %add3A_177 = arith.addi %mul3A_22, %add3A_176 : i32
    %dma_wait3A_178 = arith.constant 0 : i32
    %dma_wait3A_179 = arith.constant 0 : i32
    %dma_wait3A_180 = arith.constant 0 : i32
    %dma_wait3A_181 = tpu.memref_slice %arg6[%dma_wait3A_178, %dma_wait3A_179, %dma_wait3A_180] : memref<6x128x128xf32, #tpu.memory_space<vmem>> -> memref<1x128x128xf32, #tpu.memory_space<vmem>>
    %dma_wait3A_182 = tpu.memref_squeeze %dma_wait3A_181 : memref<1x128x128xf32, #tpu.memory_space<vmem>> -> memref<128x128xf32, #tpu.memory_space<vmem>>
    %dma_wait3A_183 = arith.constant 0 : i32
    %dma_wait3A_184 = tpu.memref_slice %arg4[%add3A_177, %dma_wait3A_183] : memref<147456x128xf32, #tpu.memory_space<hbm>> -> memref<128x128xf32, #tpu.memory_space<hbm>>
    %dma_wait3A_185 = arith.constant 0 : i32
    %dma_wait3A_186 = tpu.memref_slice %arg4[%add3A_177, %dma_wait3A_185] : memref<147456x128xf32, #tpu.memory_space<hbm>> -> memref<128x128xf32, #tpu.memory_space<hbm>>
    %dma_wait3A_187 = arith.constant 0 : i32
    %dma_wait3A_188 = arith.constant 0 : i32
    %dma_wait3A_189 = tpu.memref_slice %arg6[%dma_wait3A_178, %dma_wait3A_187, %dma_wait3A_188] : memref<6x128x128xf32, #tpu.memory_space<vmem>> -> memref<1x128x128xf32, #tpu.memory_space<vmem>>
    %dma_wait3A_190 = tpu.memref_squeeze %dma_wait3A_189 : memref<1x128x128xf32, #tpu.memory_space<vmem>> -> memref<128x128xf32, #tpu.memory_space<vmem>>
    tpu.wait_dma2 semaphore(%arg14 : memref<!tpu.dma_semaphore, #tpu.memory_space<semaphore_mem>>) src(%dma_wait3A_190 : memref<128x128xf32, #tpu.memory_space<vmem>>) dst(%dma_wait3A_186 : memref<128x128xf32, #tpu.memory_space<hbm>>)
    %dma_start3A_191 = arith.constant 6 : i32
    %dma_start3A_192 = arith.constant 0 : i32
    %dma_start3A_193 = arith.constant 0 : i32
    %dma_start3A_194 = arith.constant 0 : i32
    %dma_start3A_195 = tpu.memref_slice %arg6[%dma_start3A_192, %dma_start3A_193, %dma_start3A_194] : memref<6x128x128xf32, #tpu.memory_space<vmem>> -> memref<1x128x128xf32, #tpu.memory_space<vmem>>
    %dma_start3A_196 = tpu.memref_squeeze %dma_start3A_195 : memref<1x128x128xf32, #tpu.memory_space<vmem>> -> memref<128x128xf32, #tpu.memory_space<vmem>>
    %dma_start3A_197 = arith.constant 0 : i32
    %dma_start3A_198 = tpu.memref_slice %arg5[%dma_start3A_191, %dma_start3A_197] : memref<36x128xi32, #tpu.memory_space<vmem>> -> memref<1x128xi32, #tpu.memory_space<vmem>>
    %dma_start3A_199 = tpu.memref_squeeze %dma_start3A_198 : memref<1x128xi32, #tpu.memory_space<vmem>> -> memref<128xi32, #tpu.memory_space<vmem>>
    %dma_start3A_200 = arith.constant 0 : i32
    %dma_start3A_201 = arith.constant 0 : i32
    %dma_start3A_202 = tpu.memref_slice %arg7[%dma_start3A_200, %dma_start3A_201] : memref<96x128xf32, #tpu.memory_space<vmem_shared>> -> memref<96x128xf32, #tpu.memory_space<vmem_shared>>
    tpu.enqueue_indirect_dma source(%dma_start3A_202 : memref<96x128xf32, #tpu.memory_space<vmem_shared>>) target(%dma_start3A_196 : memref<128x128xf32, #tpu.memory_space<vmem>>) offsets(%dma_start3A_199 : memref<128xi32, #tpu.memory_space<vmem>>) semaphore(%arg8 : memref<!tpu.dma_semaphore, #tpu.memory_space<semaphore_mem>>)
    %dma_wait3A_203 = arith.constant 3 : i32
    %dma_wait3A_204 = arith.constant 3 : i32
    %dma_wait3A_205 = arith.constant 0 : i32
    %dma_wait3A_206 = arith.constant 0 : i32
    %dma_wait3A_207 = tpu.memref_slice %arg6[%dma_wait3A_204, %dma_wait3A_205, %dma_wait3A_206] : memref<6x128x128xf32, #tpu.memory_space<vmem>> -> memref<1x128x128xf32, #tpu.memory_space<vmem>>
    %dma_wait3A_208 = tpu.memref_squeeze %dma_wait3A_207 : memref<1x128x128xf32, #tpu.memory_space<vmem>> -> memref<128x128xf32, #tpu.memory_space<vmem>>
    %dma_wait3A_209 = arith.constant 0 : i32
    %dma_wait3A_210 = tpu.memref_slice %arg5[%dma_wait3A_203, %dma_wait3A_209] : memref<36x128xi32, #tpu.memory_space<vmem>> -> memref<1x128xi32, #tpu.memory_space<vmem>>
    %dma_wait3A_211 = tpu.memref_squeeze %dma_wait3A_210 : memref<1x128xi32, #tpu.memory_space<vmem>> -> memref<128xi32, #tpu.memory_space<vmem>>
    %dma_wait3A_212 = arith.constant 0 : i32
    %dma_wait3A_213 = arith.constant 0 : i32
    %dma_wait3A_214 = tpu.memref_slice %arg7[%dma_wait3A_212, %dma_wait3A_213] : memref<96x128xf32, #tpu.memory_space<vmem_shared>> -> memref<96x128xf32, #tpu.memory_space<vmem_shared>>
    tpu.wait_indirect_dma semaphore(%arg11 : memref<!tpu.dma_semaphore, #tpu.memory_space<semaphore_mem>>) src(%dma_wait3A_214 : memref<96x128xf32, #tpu.memory_space<vmem_shared>>) dst(%dma_wait3A_208 : memref<128x128xf32, #tpu.memory_space<vmem>>)
    %add3A_215 = arith.constant 384 : i32
    %add3A_216 = arith.addi %mul3A_22, %add3A_215 : i32
    %dma_start3A_217 = arith.constant 3 : i32
    %dma_start3A_218 = arith.constant 0 : i32
    %dma_start3A_219 = arith.constant 0 : i32
    %dma_start3A_220 = tpu.memref_slice %arg6[%dma_start3A_217, %dma_start3A_218, %dma_start3A_219] : memref<6x128x128xf32, #tpu.memory_space<vmem>> -> memref<1x128x128xf32, #tpu.memory_space<vmem>>
    %dma_start3A_221 = tpu.memref_squeeze %dma_start3A_220 : memref<1x128x128xf32, #tpu.memory_space<vmem>> -> memref<128x128xf32, #tpu.memory_space<vmem>>
    %dma_start3A_222 = arith.constant 0 : i32
    %dma_start3A_223 = tpu.memref_slice %arg4[%add3A_216, %dma_start3A_222] : memref<147456x128xf32, #tpu.memory_space<hbm>> -> memref<128x128xf32, #tpu.memory_space<hbm>>
    %dma_start3A_224 = arith.constant 0 : i32
    %dma_start3A_225 = tpu.memref_slice %arg4[%add3A_216, %dma_start3A_224] : memref<147456x128xf32, #tpu.memory_space<hbm>> -> memref<128x128xf32, #tpu.memory_space<hbm>>
    %dma_start3A_226 = arith.constant 0 : i32
    %dma_start3A_227 = arith.constant 0 : i32
    %dma_start3A_228 = tpu.memref_slice %arg6[%dma_start3A_217, %dma_start3A_226, %dma_start3A_227] : memref<6x128x128xf32, #tpu.memory_space<vmem>> -> memref<1x128x128xf32, #tpu.memory_space<vmem>>
    %dma_start3A_229 = tpu.memref_squeeze %dma_start3A_228 : memref<1x128x128xf32, #tpu.memory_space<vmem>> -> memref<128x128xf32, #tpu.memory_space<vmem>>
    tpu.enqueue_dma source(%dma_start3A_229 : memref<128x128xf32, #tpu.memory_space<vmem>>) target(%dma_start3A_225 : memref<128x128xf32, #tpu.memory_space<hbm>>) target_semaphore(%arg17 : memref<!tpu.dma_semaphore, #tpu.memory_space<semaphore_mem>>)
    %add3A_230 = arith.constant 128 : i32
    %add3A_231 = arith.addi %mul3A_22, %add3A_230 : i32
    %dma_wait3A_232 = arith.constant 1 : i32
    %dma_wait3A_233 = arith.constant 0 : i32
    %dma_wait3A_234 = arith.constant 0 : i32
    %dma_wait3A_235 = tpu.memref_slice %arg6[%dma_wait3A_232, %dma_wait3A_233, %dma_wait3A_234] : memref<6x128x128xf32, #tpu.memory_space<vmem>> -> memref<1x128x128xf32, #tpu.memory_space<vmem>>
    %dma_wait3A_236 = tpu.memref_squeeze %dma_wait3A_235 : memref<1x128x128xf32, #tpu.memory_space<vmem>> -> memref<128x128xf32, #tpu.memory_space<vmem>>
    %dma_wait3A_237 = arith.constant 0 : i32
    %dma_wait3A_238 = tpu.memref_slice %arg4[%add3A_231, %dma_wait3A_237] : memref<147456x128xf32, #tpu.memory_space<hbm>> -> memref<128x128xf32, #tpu.memory_space<hbm>>
    %dma_wait3A_239 = arith.constant 0 : i32
    %dma_wait3A_240 = tpu.memref_slice %arg4[%add3A_231, %dma_wait3A_239] : memref<147456x128xf32, #tpu.memory_space<hbm>> -> memref<128x128xf32, #tpu.memory_space<hbm>>
    %dma_wait3A_241 = arith.constant 0 : i32
    %dma_wait3A_242 = arith.constant 0 : i32
    %dma_wait3A_243 = tpu.memref_slice %arg6[%dma_wait3A_232, %dma_wait3A_241, %dma_wait3A_242] : memref<6x128x128xf32, #tpu.memory_space<vmem>> -> memref<1x128x128xf32, #tpu.memory_space<vmem>>
    %dma_wait3A_244 = tpu.memref_squeeze %dma_wait3A_243 : memref<1x128x128xf32, #tpu.memory_space<vmem>> -> memref<128x128xf32, #tpu.memory_space<vmem>>
    tpu.wait_dma2 semaphore(%arg15 : memref<!tpu.dma_semaphore, #tpu.memory_space<semaphore_mem>>) src(%dma_wait3A_244 : memref<128x128xf32, #tpu.memory_space<vmem>>) dst(%dma_wait3A_240 : memref<128x128xf32, #tpu.memory_space<hbm>>)
    %dma_start3A_245 = arith.constant 7 : i32
    %dma_start3A_246 = arith.constant 1 : i32
    %dma_start3A_247 = arith.constant 0 : i32
    %dma_start3A_248 = arith.constant 0 : i32
    %dma_start3A_249 = tpu.memref_slice %arg6[%dma_start3A_246, %dma_start3A_247, %dma_start3A_248] : memref<6x128x128xf32, #tpu.memory_space<vmem>> -> memref<1x128x128xf32, #tpu.memory_space<vmem>>
    %dma_start3A_250 = tpu.memref_squeeze %dma_start3A_249 : memref<1x128x128xf32, #tpu.memory_space<vmem>> -> memref<128x128xf32, #tpu.memory_space<vmem>>
    %dma_start3A_251 = arith.constant 0 : i32
    %dma_start3A_252 = tpu.memref_slice %arg5[%dma_start3A_245, %dma_start3A_251] : memref<36x128xi32, #tpu.memory_space<vmem>> -> memref<1x128xi32, #tpu.memory_space<vmem>>
    %dma_start3A_253 = tpu.memref_squeeze %dma_start3A_252 : memref<1x128xi32, #tpu.memory_space<vmem>> -> memref<128xi32, #tpu.memory_space<vmem>>
    %dma_start3A_254 = arith.constant 0 : i32
    %dma_start3A_255 = arith.constant 0 : i32
    %dma_start3A_256 = tpu.memref_slice %arg7[%dma_start3A_254, %dma_start3A_255] : memref<96x128xf32, #tpu.memory_space<vmem_shared>> -> memref<96x128xf32, #tpu.memory_space<vmem_shared>>
    tpu.enqueue_indirect_dma source(%dma_start3A_256 : memref<96x128xf32, #tpu.memory_space<vmem_shared>>) target(%dma_start3A_250 : memref<128x128xf32, #tpu.memory_space<vmem>>) offsets(%dma_start3A_253 : memref<128xi32, #tpu.memory_space<vmem>>) semaphore(%arg9 : memref<!tpu.dma_semaphore, #tpu.memory_space<semaphore_mem>>)
    %dma_wait3A_257 = arith.constant 4 : i32
    %dma_wait3A_258 = arith.constant 4 : i32
    %dma_wait3A_259 = arith.constant 0 : i32
    %dma_wait3A_260 = arith.constant 0 : i32
    %dma_wait3A_261 = tpu.memref_slice %arg6[%dma_wait3A_258, %dma_wait3A_259, %dma_wait3A_260] : memref<6x128x128xf32, #tpu.memory_space<vmem>> -> memref<1x128x128xf32, #tpu.memory_space<vmem>>
    %dma_wait3A_262 = tpu.memref_squeeze %dma_wait3A_261 : memref<1x128x128xf32, #tpu.memory_space<vmem>> -> memref<128x128xf32, #tpu.memory_space<vmem>>
    %dma_wait3A_263 = arith.constant 0 : i32
    %dma_wait3A_264 = tpu.memref_slice %arg5[%dma_wait3A_257, %dma_wait3A_263] : memref<36x128xi32, #tpu.memory_space<vmem>> -> memref<1x128xi32, #tpu.memory_space<vmem>>
    %dma_wait3A_265 = tpu.memref_squeeze %dma_wait3A_264 : memref<1x128xi32, #tpu.memory_space<vmem>> -> memref<128xi32, #tpu.memory_space<vmem>>
    %dma_wait3A_266 = arith.constant 0 : i32
    %dma_wait3A_267 = arith.constant 0 : i32
    %dma_wait3A_268 = tpu.memref_slice %arg7[%dma_wait3A_266, %dma_wait3A_267] : memref<96x128xf32, #tpu.memory_space<vmem_shared>> -> memref<96x128xf32, #tpu.memory_space<vmem_shared>>
    tpu.wait_indirect_dma semaphore(%arg12 : memref<!tpu.dma_semaphore, #tpu.memory_space<semaphore_mem>>) src(%dma_wait3A_268 : memref<96x128xf32, #tpu.memory_space<vmem_shared>>) dst(%dma_wait3A_262 : memref<128x128xf32, #tpu.memory_space<vmem>>)
    %add3A_269 = arith.constant 512 : i32
    %add3A_270 = arith.addi %mul3A_22, %add3A_269 : i32
    %dma_start3A_271 = arith.constant 4 : i32
    %dma_start3A_272 = arith.constant 0 : i32
    %dma_start3A_273 = arith.constant 0 : i32
    %dma_start3A_274 = tpu.memref_slice %arg6[%dma_start3A_271, %dma_start3A_272, %dma_start3A_273] : memref<6x128x128xf32, #tpu.memory_space<vmem>> -> memref<1x128x128xf32, #tpu.memory_space<vmem>>
    %dma_start3A_275 = tpu.memref_squeeze %dma_start3A_274 : memref<1x128x128xf32, #tpu.memory_space<vmem>> -> memref<128x128xf32, #tpu.memory_space<vmem>>
    %dma_start3A_276 = arith.constant 0 : i32
    %dma_start3A_277 = tpu.memref_slice %arg4[%add3A_270, %dma_start3A_276] : memref<147456x128xf32, #tpu.memory_space<hbm>> -> memref<128x128xf32, #tpu.memory_space<hbm>>
    %dma_start3A_278 = arith.constant 0 : i32
    %dma_start3A_279 = tpu.memref_slice %arg4[%add3A_270, %dma_start3A_278] : memref<147456x128xf32, #tpu.memory_space<hbm>> -> memref<128x128xf32, #tpu.memory_space<hbm>>
    %dma_start3A_280 = arith.constant 0 : i32
    %dma_start3A_281 = arith.constant 0 : i32
    %dma_start3A_282 = tpu.memref_slice %arg6[%dma_start3A_271, %dma_start3A_280, %dma_start3A_281] : memref<6x128x128xf32, #tpu.memory_space<vmem>> -> memref<1x128x128xf32, #tpu.memory_space<vmem>>
    %dma_start3A_283 = tpu.memref_squeeze %dma_start3A_282 : memref<1x128x128xf32, #tpu.memory_space<vmem>> -> memref<128x128xf32, #tpu.memory_space<vmem>>
    tpu.enqueue_dma source(%dma_start3A_283 : memref<128x128xf32, #tpu.memory_space<vmem>>) target(%dma_start3A_279 : memref<128x128xf32, #tpu.memory_space<hbm>>) target_semaphore(%arg18 : memref<!tpu.dma_semaphore, #tpu.memory_space<semaphore_mem>>)
    %add3A_284 = arith.constant 256 : i32
    %add3A_285 = arith.addi %mul3A_22, %add3A_284 : i32
    %dma_wait3A_286 = arith.constant 2 : i32
    %dma_wait3A_287 = arith.constant 0 : i32
    %dma_wait3A_288 = arith.constant 0 : i32
    %dma_wait3A_289 = tpu.memref_slice %arg6[%dma_wait3A_286, %dma_wait3A_287, %dma_wait3A_288] : memref<6x128x128xf32, #tpu.memory_space<vmem>> -> memref<1x128x128xf32, #tpu.memory_space<vmem>>
    %dma_wait3A_290 = tpu.memref_squeeze %dma_wait3A_289 : memref<1x128x128xf32, #tpu.memory_space<vmem>> -> memref<128x128xf32, #tpu.memory_space<vmem>>
    %dma_wait3A_291 = arith.constant 0 : i32
    %dma_wait3A_292 = tpu.memref_slice %arg4[%add3A_285, %dma_wait3A_291] : memref<147456x128xf32, #tpu.memory_space<hbm>> -> memref<128x128xf32, #tpu.memory_space<hbm>>
    %dma_wait3A_293 = arith.constant 0 : i32
    %dma_wait3A_294 = tpu.memref_slice %arg4[%add3A_285, %dma_wait3A_293] : memref<147456x128xf32, #tpu.memory_space<hbm>> -> memref<128x128xf32, #tpu.memory_space<hbm>>
    %dma_wait3A_295 = arith.constant 0 : i32
    %dma_wait3A_296 = arith.constant 0 : i32
    %dma_wait3A_297 = tpu.memref_slice %arg6[%dma_wait3A_286, %dma_wait3A_295, %dma_wait3A_296] : memref<6x128x128xf32, #tpu.memory_space<vmem>> -> memref<1x128x128xf32, #tpu.memory_space<vmem>>
    %dma_wait3A_298 = tpu.memref_squeeze %dma_wait3A_297 : memref<1x128x128xf32, #tpu.memory_space<vmem>> -> memref<128x128xf32, #tpu.memory_space<vmem>>
    tpu.wait_dma2 semaphore(%arg16 : memref<!tpu.dma_semaphore, #tpu.memory_space<semaphore_mem>>) src(%dma_wait3A_298 : memref<128x128xf32, #tpu.memory_space<vmem>>) dst(%dma_wait3A_294 : memref<128x128xf32, #tpu.memory_space<hbm>>)
    %dma_start3A_299 = arith.constant 8 : i32
    %dma_start3A_300 = arith.constant 2 : i32
    %dma_start3A_301 = arith.constant 0 : i32
    %dma_start3A_302 = arith.constant 0 : i32
    %dma_start3A_303 = tpu.memref_slice %arg6[%dma_start3A_300, %dma_start3A_301, %dma_start3A_302] : memref<6x128x128xf32, #tpu.memory_space<vmem>> -> memref<1x128x128xf32, #tpu.memory_space<vmem>>
    %dma_start3A_304 = tpu.memref_squeeze %dma_start3A_303 : memref<1x128x128xf32, #tpu.memory_space<vmem>> -> memref<128x128xf32, #tpu.memory_space<vmem>>
    %dma_start3A_305 = arith.constant 0 : i32
    %dma_start3A_306 = tpu.memref_slice %arg5[%dma_start3A_299, %dma_start3A_305] : memref<36x128xi32, #tpu.memory_space<vmem>> -> memref<1x128xi32, #tpu.memory_space<vmem>>
    %dma_start3A_307 = tpu.memref_squeeze %dma_start3A_306 : memref<1x128xi32, #tpu.memory_space<vmem>> -> memref<128xi32, #tpu.memory_space<vmem>>
    %dma_start3A_308 = arith.constant 0 : i32
    %dma_start3A_309 = arith.constant 0 : i32
    %dma_start3A_310 = tpu.memref_slice %arg7[%dma_start3A_308, %dma_start3A_309] : memref<96x128xf32, #tpu.memory_space<vmem_shared>> -> memref<96x128xf32, #tpu.memory_space<vmem_shared>>
    tpu.enqueue_indirect_dma source(%dma_start3A_310 : memref<96x128xf32, #tpu.memory_space<vmem_shared>>) target(%dma_start3A_304 : memref<128x128xf32, #tpu.memory_space<vmem>>) offsets(%dma_start3A_307 : memref<128xi32, #tpu.memory_space<vmem>>) semaphore(%arg10 : memref<!tpu.dma_semaphore, #tpu.memory_space<semaphore_mem>>)
    %dma_wait3A_311 = arith.constant 5 : i32
    %dma_wait3A_312 = arith.constant 5 : i32
    %dma_wait3A_313 = arith.constant 0 : i32
    %dma_wait3A_314 = arith.constant 0 : i32
    %dma_wait3A_315 = tpu.memref_slice %arg6[%dma_wait3A_312, %dma_wait3A_313, %dma_wait3A_314] : memref<6x128x128xf32, #tpu.memory_space<vmem>> -> memref<1x128x128xf32, #tpu.memory_space<vmem>>
    %dma_wait3A_316 = tpu.memref_squeeze %dma_wait3A_315 : memref<1x128x128xf32, #tpu.memory_space<vmem>> -> memref<128x128xf32, #tpu.memory_space<vmem>>
    %dma_wait3A_317 = arith.constant 0 : i32
    %dma_wait3A_318 = tpu.memref_slice %arg5[%dma_wait3A_311, %dma_wait3A_317] : memref<36x128xi32, #tpu.memory_space<vmem>> -> memref<1x128xi32, #tpu.memory_space<vmem>>
    %dma_wait3A_319 = tpu.memref_squeeze %dma_wait3A_318 : memref<1x128xi32, #tpu.memory_space<vmem>> -> memref<128xi32, #tpu.memory_space<vmem>>
    %dma_wait3A_320 = arith.constant 0 : i32
    %dma_wait3A_321 = arith.constant 0 : i32
    %dma_wait3A_322 = tpu.memref_slice %arg7[%dma_wait3A_320, %dma_wait3A_321] : memref<96x128xf32, #tpu.memory_space<vmem_shared>> -> memref<96x128xf32, #tpu.memory_space<vmem_shared>>
    tpu.wait_indirect_dma semaphore(%arg13 : memref<!tpu.dma_semaphore, #tpu.memory_space<semaphore_mem>>) src(%dma_wait3A_322 : memref<96x128xf32, #tpu.memory_space<vmem_shared>>) dst(%dma_wait3A_316 : memref<128x128xf32, #tpu.memory_space<vmem>>)
    %add3A_323 = arith.constant 640 : i32
    %add3A_324 = arith.addi %mul3A_22, %add3A_323 : i32
    %dma_start3A_325 = arith.constant 5 : i32
    %dma_start3A_326 = arith.constant 0 : i32
    %dma_start3A_327 = arith.constant 0 : i32
    %dma_start3A_328 = tpu.memref_slice %arg6[%dma_start3A_325, %dma_start3A_326, %dma_start3A_327] : memref<6x128x128xf32, #tpu.memory_space<vmem>> -> memref<1x128x128xf32, #tpu.memory_space<vmem>>
    %dma_start3A_329 = tpu.memref_squeeze %dma_start3A_328 : memref<1x128x128xf32, #tpu.memory_space<vmem>> -> memref<128x128xf32, #tpu.memory_space<vmem>>
    %dma_start3A_330 = arith.constant 0 : i32
    %dma_start3A_331 = tpu.memref_slice %arg4[%add3A_324, %dma_start3A_330] : memref<147456x128xf32, #tpu.memory_space<hbm>> -> memref<128x128xf32, #tpu.memory_space<hbm>>
    %dma_start3A_332 = arith.constant 0 : i32
    %dma_start3A_333 = tpu.memref_slice %arg4[%add3A_324, %dma_start3A_332] : memref<147456x128xf32, #tpu.memory_space<hbm>> -> memref<128x128xf32, #tpu.memory_space<hbm>>
    %dma_start3A_334 = arith.constant 0 : i32
    %dma_start3A_335 = arith.constant 0 : i32
    %dma_start3A_336 = tpu.memref_slice %arg6[%dma_start3A_325, %dma_start3A_334, %dma_start3A_335] : memref<6x128x128xf32, #tpu.memory_space<vmem>> -> memref<1x128x128xf32, #tpu.memory_space<vmem>>
    %dma_start3A_337 = tpu.memref_squeeze %dma_start3A_336 : memref<1x128x128xf32, #tpu.memory_space<vmem>> -> memref<128x128xf32, #tpu.memory_space<vmem>>
    tpu.enqueue_dma source(%dma_start3A_337 : memref<128x128xf32, #tpu.memory_space<vmem>>) target(%dma_start3A_333 : memref<128x128xf32, #tpu.memory_space<hbm>>) target_semaphore(%arg19 : memref<!tpu.dma_semaphore, #tpu.memory_space<semaphore_mem>>)
    %add3A_338 = arith.constant 384 : i32
    %add3A_339 = arith.addi %mul3A_22, %add3A_338 : i32
    %dma_wait3A_340 = arith.constant 3 : i32
    %dma_wait3A_341 = arith.constant 0 : i32
    %dma_wait3A_342 = arith.constant 0 : i32
    %dma_wait3A_343 = tpu.memref_slice %arg6[%dma_wait3A_340, %dma_wait3A_341, %dma_wait3A_342] : memref<6x128x128xf32, #tpu.memory_space<vmem>> -> memref<1x128x128xf32, #tpu.memory_space<vmem>>
    %dma_wait3A_344 = tpu.memref_squeeze %dma_wait3A_343 : memref<1x128x128xf32, #tpu.memory_space<vmem>> -> memref<128x128xf32, #tpu.memory_space<vmem>>
    %dma_wait3A_345 = arith.constant 0 : i32
    %dma_wait3A_346 = tpu.memref_slice %arg4[%add3A_339, %dma_wait3A_345] : memref<147456x128xf32, #tpu.memory_space<hbm>> -> memref<128x128xf32, #tpu.memory_space<hbm>>
    %dma_wait3A_347 = arith.constant 0 : i32
    %dma_wait3A_348 = tpu.memref_slice %arg4[%add3A_339, %dma_wait3A_347] : memref<147456x128xf32, #tpu.memory_space<hbm>> -> memref<128x128xf32, #tpu.memory_space<hbm>>
    %dma_wait3A_349 = arith.constant 0 : i32
    %dma_wait3A_350 = arith.constant 0 : i32
    %dma_wait3A_351 = tpu.memref_slice %arg6[%dma_wait3A_340, %dma_wait3A_349, %dma_wait3A_350] : memref<6x128x128xf32, #tpu.memory_space<vmem>> -> memref<1x128x128xf32, #tpu.memory_space<vmem>>
    %dma_wait3A_352 = tpu.memref_squeeze %dma_wait3A_351 : memref<1x128x128xf32, #tpu.memory_space<vmem>> -> memref<128x128xf32, #tpu.memory_space<vmem>>
    tpu.wait_dma2 semaphore(%arg17 : memref<!tpu.dma_semaphore, #tpu.memory_space<semaphore_mem>>) src(%dma_wait3A_352 : memref<128x128xf32, #tpu.memory_space<vmem>>) dst(%dma_wait3A_348 : memref<128x128xf32, #tpu.memory_space<hbm>>)
    %dma_start3A_353 = arith.constant 9 : i32
    %dma_start3A_354 = arith.constant 3 : i32
    %dma_start3A_355 = arith.constant 0 : i32
    %dma_start3A_356 = arith.constant 0 : i32
    %dma_start3A_357 = tpu.memref_slice %arg6[%dma_start3A_354, %dma_start3A_355, %dma_start3A_356] : memref<6x128x128xf32, #tpu.memory_space<vmem>> -> memref<1x128x128xf32, #tpu.memory_space<vmem>>
    %dma_start3A_358 = tpu.memref_squeeze %dma_start3A_357 : memref<1x128x128xf32, #tpu.memory_space<vmem>> -> memref<128x128xf32, #tpu.memory_space<vmem>>
    %dma_start3A_359 = arith.constant 0 : i32
    %dma_start3A_360 = tpu.memref_slice %arg5[%dma_start3A_353, %dma_start3A_359] : memref<36x128xi32, #tpu.memory_space<vmem>> -> memref<1x128xi32, #tpu.memory_space<vmem>>
    %dma_start3A_361 = tpu.memref_squeeze %dma_start3A_360 : memref<1x128xi32, #tpu.memory_space<vmem>> -> memref<128xi32, #tpu.memory_space<vmem>>
    %dma_start3A_362 = arith.constant 0 : i32
    %dma_start3A_363 = arith.constant 0 : i32
    %dma_start3A_364 = tpu.memref_slice %arg7[%dma_start3A_362, %dma_start3A_363] : memref<96x128xf32, #tpu.memory_space<vmem_shared>> -> memref<96x128xf32, #tpu.memory_space<vmem_shared>>
    tpu.enqueue_indirect_dma source(%dma_start3A_364 : memref<96x128xf32, #tpu.memory_space<vmem_shared>>) target(%dma_start3A_358 : memref<128x128xf32, #tpu.memory_space<vmem>>) offsets(%dma_start3A_361 : memref<128xi32, #tpu.memory_space<vmem>>) semaphore(%arg11 : memref<!tpu.dma_semaphore, #tpu.memory_space<semaphore_mem>>)
    %scan3A = arith.constant 0 : i32
    %scan3A_365 = arith.constant 1 : i32
    %scan3A_366 = arith.constant 4 : i32
    %scan3A_367 = arith.addi %scan3A_365, %scan3A_366 : i32
    %scan3A_368 = arith.constant 1 : i32
    scf.for %scan3A_676 = %scan3A_365 to %scan3A_367 step %scan3A_368  : i32 {
      %mul3A_677 = arith.constant 6 : i32
      %mul3A_678 = arith.muli %scan3A_676, %mul3A_677 : i32
      %add3A_679 = arith.constant 0 : i32
      %add3A_680 = arith.addi %mul3A_678, %add3A_679 : i32
      %dma_wait3A_681 = arith.constant 0 : i32
      %dma_wait3A_682 = arith.constant 0 : i32
      %dma_wait3A_683 = arith.constant 0 : i32
      %dma_wait3A_684 = tpu.memref_slice %arg6[%dma_wait3A_681, %dma_wait3A_682, %dma_wait3A_683] : memref<6x128x128xf32, #tpu.memory_space<vmem>> -> memref<1x128x128xf32, #tpu.memory_space<vmem>>
      %dma_wait3A_685 = tpu.memref_squeeze %dma_wait3A_684 : memref<1x128x128xf32, #tpu.memory_space<vmem>> -> memref<128x128xf32, #tpu.memory_space<vmem>>
      %dma_wait3A_686 = arith.constant 0 : i32
      %dma_wait3A_687 = tpu.memref_slice %arg5[%add3A_680, %dma_wait3A_686] : memref<36x128xi32, #tpu.memory_space<vmem>> -> memref<1x128xi32, #tpu.memory_space<vmem>>
      %dma_wait3A_688 = tpu.memref_squeeze %dma_wait3A_687 : memref<1x128xi32, #tpu.memory_space<vmem>> -> memref<128xi32, #tpu.memory_space<vmem>>
      %dma_wait3A_689 = arith.constant 0 : i32
      %dma_wait3A_690 = arith.constant 0 : i32
      %dma_wait3A_691 = tpu.memref_slice %arg7[%dma_wait3A_689, %dma_wait3A_690] : memref<96x128xf32, #tpu.memory_space<vmem_shared>> -> memref<96x128xf32, #tpu.memory_space<vmem_shared>>
      tpu.wait_indirect_dma semaphore(%arg8 : memref<!tpu.dma_semaphore, #tpu.memory_space<semaphore_mem>>) src(%dma_wait3A_691 : memref<96x128xf32, #tpu.memory_space<vmem_shared>>) dst(%dma_wait3A_685 : memref<128x128xf32, #tpu.memory_space<vmem>>)
      %mul3A_692 = arith.constant 128 : i32
      %mul3A_693 = arith.muli %add3A_680, %mul3A_692 : i32
      %add3A_694 = arith.addi %mul3A_22, %mul3A_693 : i32
      %dma_start3A_695 = arith.constant 0 : i32
      %dma_start3A_696 = arith.constant 0 : i32
      %dma_start3A_697 = arith.constant 0 : i32
      %dma_start3A_698 = tpu.memref_slice %arg6[%dma_start3A_695, %dma_start3A_696, %dma_start3A_697] : memref<6x128x128xf32, #tpu.memory_space<vmem>> -> memref<1x128x128xf32, #tpu.memory_space<vmem>>
      %dma_start3A_699 = tpu.memref_squeeze %dma_start3A_698 : memref<1x128x128xf32, #tpu.memory_space<vmem>> -> memref<128x128xf32, #tpu.memory_space<vmem>>
      %dma_start3A_700 = arith.constant 0 : i32
      %dma_start3A_701 = tpu.memref_slice %arg4[%add3A_694, %dma_start3A_700] : memref<147456x128xf32, #tpu.memory_space<hbm>> -> memref<128x128xf32, #tpu.memory_space<hbm>>
      %dma_start3A_702 = arith.constant 0 : i32
      %dma_start3A_703 = tpu.memref_slice %arg4[%add3A_694, %dma_start3A_702] : memref<147456x128xf32, #tpu.memory_space<hbm>> -> memref<128x128xf32, #tpu.memory_space<hbm>>
      %dma_start3A_704 = arith.constant 0 : i32
      %dma_start3A_705 = arith.constant 0 : i32
      %dma_start3A_706 = tpu.memref_slice %arg6[%dma_start3A_695, %dma_start3A_704, %dma_start3A_705] : memref<6x128x128xf32, #tpu.memory_space<vmem>> -> memref<1x128x128xf32, #tpu.memory_space<vmem>>
      %dma_start3A_707 = tpu.memref_squeeze %dma_start3A_706 : memref<1x128x128xf32, #tpu.memory_space<vmem>> -> memref<128x128xf32, #tpu.memory_space<vmem>>
      tpu.enqueue_dma source(%dma_start3A_707 : memref<128x128xf32, #tpu.memory_space<vmem>>) target(%dma_start3A_703 : memref<128x128xf32, #tpu.memory_space<hbm>>) target_semaphore(%arg14 : memref<!tpu.dma_semaphore, #tpu.memory_space<semaphore_mem>>)
      %sub3A = arith.constant 2 : i32
      %sub3A_708 = arith.subi %add3A_680, %sub3A : i32
      %mul3A_709 = arith.constant 128 : i32
      %mul3A_710 = arith.muli %sub3A_708, %mul3A_709 : i32
      %add3A_711 = arith.addi %mul3A_22, %mul3A_710 : i32
      %dma_wait3A_712 = arith.constant 4 : i32
      %dma_wait3A_713 = arith.constant 0 : i32
      %dma_wait3A_714 = arith.constant 0 : i32
      %dma_wait3A_715 = tpu.memref_slice %arg6[%dma_wait3A_712, %dma_wait3A_713, %dma_wait3A_714] : memref<6x128x128xf32, #tpu.memory_space<vmem>> -> memref<1x128x128xf32, #tpu.memory_space<vmem>>
      %dma_wait3A_716 = tpu.memref_squeeze %dma_wait3A_715 : memref<1x128x128xf32, #tpu.memory_space<vmem>> -> memref<128x128xf32, #tpu.memory_space<vmem>>
      %dma_wait3A_717 = arith.constant 0 : i32
      %dma_wait3A_718 = tpu.memref_slice %arg4[%add3A_711, %dma_wait3A_717] : memref<147456x128xf32, #tpu.memory_space<hbm>> -> memref<128x128xf32, #tpu.memory_space<hbm>>
      %dma_wait3A_719 = arith.constant 0 : i32
      %dma_wait3A_720 = tpu.memref_slice %arg4[%add3A_711, %dma_wait3A_719] : memref<147456x128xf32, #tpu.memory_space<hbm>> -> memref<128x128xf32, #tpu.memory_space<hbm>>
      %dma_wait3A_721 = arith.constant 0 : i32
      %dma_wait3A_722 = arith.constant 0 : i32
      %dma_wait3A_723 = tpu.memref_slice %arg6[%dma_wait3A_712, %dma_wait3A_721, %dma_wait3A_722] : memref<6x128x128xf32, #tpu.memory_space<vmem>> -> memref<1x128x128xf32, #tpu.memory_space<vmem>>
      %dma_wait3A_724 = tpu.memref_squeeze %dma_wait3A_723 : memref<1x128x128xf32, #tpu.memory_space<vmem>> -> memref<128x128xf32, #tpu.memory_space<vmem>>
      tpu.wait_dma2 semaphore(%arg18 : memref<!tpu.dma_semaphore, #tpu.memory_space<semaphore_mem>>) src(%dma_wait3A_724 : memref<128x128xf32, #tpu.memory_space<vmem>>) dst(%dma_wait3A_720 : memref<128x128xf32, #tpu.memory_space<hbm>>)
      %add3A_725 = arith.constant 4 : i32
      %add3A_726 = arith.addi %add3A_680, %add3A_725 : i32
      %dma_start3A_727 = arith.constant 4 : i32
      %dma_start3A_728 = arith.constant 0 : i32
      %dma_start3A_729 = arith.constant 0 : i32
      %dma_start3A_730 = tpu.memref_slice %arg6[%dma_start3A_727, %dma_start3A_728, %dma_start3A_729] : memref<6x128x128xf32, #tpu.memory_space<vmem>> -> memref<1x128x128xf32, #tpu.memory_space<vmem>>
      %dma_start3A_731 = tpu.memref_squeeze %dma_start3A_730 : memref<1x128x128xf32, #tpu.memory_space<vmem>> -> memref<128x128xf32, #tpu.memory_space<vmem>>
      %dma_start3A_732 = arith.constant 0 : i32
      %dma_start3A_733 = tpu.memref_slice %arg5[%add3A_726, %dma_start3A_732] : memref<36x128xi32, #tpu.memory_space<vmem>> -> memref<1x128xi32, #tpu.memory_space<vmem>>
      %dma_start3A_734 = tpu.memref_squeeze %dma_start3A_733 : memref<1x128xi32, #tpu.memory_space<vmem>> -> memref<128xi32, #tpu.memory_space<vmem>>
      %dma_start3A_735 = arith.constant 0 : i32
      %dma_start3A_736 = arith.constant 0 : i32
      %dma_start3A_737 = tpu.memref_slice %arg7[%dma_start3A_735, %dma_start3A_736] : memref<96x128xf32, #tpu.memory_space<vmem_shared>> -> memref<96x128xf32, #tpu.memory_space<vmem_shared>>
      tpu.enqueue_indirect_dma source(%dma_start3A_737 : memref<96x128xf32, #tpu.memory_space<vmem_shared>>) target(%dma_start3A_731 : memref<128x128xf32, #tpu.memory_space<vmem>>) offsets(%dma_start3A_734 : memref<128xi32, #tpu.memory_space<vmem>>) semaphore(%arg12 : memref<!tpu.dma_semaphore, #tpu.memory_space<semaphore_mem>>)
      %add3A_738 = arith.constant 1 : i32
      %add3A_739 = arith.addi %mul3A_678, %add3A_738 : i32
      %dma_wait3A_740 = arith.constant 1 : i32
      %dma_wait3A_741 = arith.constant 0 : i32
      %dma_wait3A_742 = arith.constant 0 : i32
      %dma_wait3A_743 = tpu.memref_slice %arg6[%dma_wait3A_740, %dma_wait3A_741, %dma_wait3A_742] : memref<6x128x128xf32, #tpu.memory_space<vmem>> -> memref<1x128x128xf32, #tpu.memory_space<vmem>>
      %dma_wait3A_744 = tpu.memref_squeeze %dma_wait3A_743 : memref<1x128x128xf32, #tpu.memory_space<vmem>> -> memref<128x128xf32, #tpu.memory_space<vmem>>
      %dma_wait3A_745 = arith.constant 0 : i32
      %dma_wait3A_746 = tpu.memref_slice %arg5[%add3A_739, %dma_wait3A_745] : memref<36x128xi32, #tpu.memory_space<vmem>> -> memref<1x128xi32, #tpu.memory_space<vmem>>
      %dma_wait3A_747 = tpu.memref_squeeze %dma_wait3A_746 : memref<1x128xi32, #tpu.memory_space<vmem>> -> memref<128xi32, #tpu.memory_space<vmem>>
      %dma_wait3A_748 = arith.constant 0 : i32
      %dma_wait3A_749 = arith.constant 0 : i32
      %dma_wait3A_750 = tpu.memref_slice %arg7[%dma_wait3A_748, %dma_wait3A_749] : memref<96x128xf32, #tpu.memory_space<vmem_shared>> -> memref<96x128xf32, #tpu.memory_space<vmem_shared>>
      tpu.wait_indirect_dma semaphore(%arg9 : memref<!tpu.dma_semaphore, #tpu.memory_space<semaphore_mem>>) src(%dma_wait3A_750 : memref<96x128xf32, #tpu.memory_space<vmem_shared>>) dst(%dma_wait3A_744 : memref<128x128xf32, #tpu.memory_space<vmem>>)
      %mul3A_751 = arith.constant 128 : i32
      %mul3A_752 = arith.muli %add3A_739, %mul3A_751 : i32
      %add3A_753 = arith.addi %mul3A_22, %mul3A_752 : i32
      %dma_start3A_754 = arith.constant 1 : i32
      %dma_start3A_755 = arith.constant 0 : i32
      %dma_start3A_756 = arith.constant 0 : i32
      %dma_start3A_757 = tpu.memref_slice %arg6[%dma_start3A_754, %dma_start3A_755, %dma_start3A_756] : memref<6x128x128xf32, #tpu.memory_space<vmem>> -> memref<1x128x128xf32, #tpu.memory_space<vmem>>
      %dma_start3A_758 = tpu.memref_squeeze %dma_start3A_757 : memref<1x128x128xf32, #tpu.memory_space<vmem>> -> memref<128x128xf32, #tpu.memory_space<vmem>>
      %dma_start3A_759 = arith.constant 0 : i32
      %dma_start3A_760 = tpu.memref_slice %arg4[%add3A_753, %dma_start3A_759] : memref<147456x128xf32, #tpu.memory_space<hbm>> -> memref<128x128xf32, #tpu.memory_space<hbm>>
      %dma_start3A_761 = arith.constant 0 : i32
      %dma_start3A_762 = tpu.memref_slice %arg4[%add3A_753, %dma_start3A_761] : memref<147456x128xf32, #tpu.memory_space<hbm>> -> memref<128x128xf32, #tpu.memory_space<hbm>>
      %dma_start3A_763 = arith.constant 0 : i32
      %dma_start3A_764 = arith.constant 0 : i32
      %dma_start3A_765 = tpu.memref_slice %arg6[%dma_start3A_754, %dma_start3A_763, %dma_start3A_764] : memref<6x128x128xf32, #tpu.memory_space<vmem>> -> memref<1x128x128xf32, #tpu.memory_space<vmem>>
      %dma_start3A_766 = tpu.memref_squeeze %dma_start3A_765 : memref<1x128x128xf32, #tpu.memory_space<vmem>> -> memref<128x128xf32, #tpu.memory_space<vmem>>
      tpu.enqueue_dma source(%dma_start3A_766 : memref<128x128xf32, #tpu.memory_space<vmem>>) target(%dma_start3A_762 : memref<128x128xf32, #tpu.memory_space<hbm>>) target_semaphore(%arg15 : memref<!tpu.dma_semaphore, #tpu.memory_space<semaphore_mem>>)
      %sub3A_767 = arith.constant 2 : i32
      %sub3A_768 = arith.subi %add3A_739, %sub3A_767 : i32
      %mul3A_769 = arith.constant 128 : i32
      %mul3A_770 = arith.muli %sub3A_768, %mul3A_769 : i32
      %add3A_771 = arith.addi %mul3A_22, %mul3A_770 : i32
      %dma_wait3A_772 = arith.constant 5 : i32
      %dma_wait3A_773 = arith.constant 0 : i32
      %dma_wait3A_774 = arith.constant 0 : i32
      %dma_wait3A_775 = tpu.memref_slice %arg6[%dma_wait3A_772, %dma_wait3A_773, %dma_wait3A_774] : memref<6x128x128xf32, #tpu.memory_space<vmem>> -> memref<1x128x128xf32, #tpu.memory_space<vmem>>
      %dma_wait3A_776 = tpu.memref_squeeze %dma_wait3A_775 : memref<1x128x128xf32, #tpu.memory_space<vmem>> -> memref<128x128xf32, #tpu.memory_space<vmem>>
      %dma_wait3A_777 = arith.constant 0 : i32
      %dma_wait3A_778 = tpu.memref_slice %arg4[%add3A_771, %dma_wait3A_777] : memref<147456x128xf32, #tpu.memory_space<hbm>> -> memref<128x128xf32, #tpu.memory_space<hbm>>
      %dma_wait3A_779 = arith.constant 0 : i32
      %dma_wait3A_780 = tpu.memref_slice %arg4[%add3A_771, %dma_wait3A_779] : memref<147456x128xf32, #tpu.memory_space<hbm>> -> memref<128x128xf32, #tpu.memory_space<hbm>>
      %dma_wait3A_781 = arith.constant 0 : i32
      %dma_wait3A_782 = arith.constant 0 : i32
      %dma_wait3A_783 = tpu.memref_slice %arg6[%dma_wait3A_772, %dma_wait3A_781, %dma_wait3A_782] : memref<6x128x128xf32, #tpu.memory_space<vmem>> -> memref<1x128x128xf32, #tpu.memory_space<vmem>>
      %dma_wait3A_784 = tpu.memref_squeeze %dma_wait3A_783 : memref<1x128x128xf32, #tpu.memory_space<vmem>> -> memref<128x128xf32, #tpu.memory_space<vmem>>
      tpu.wait_dma2 semaphore(%arg19 : memref<!tpu.dma_semaphore, #tpu.memory_space<semaphore_mem>>) src(%dma_wait3A_784 : memref<128x128xf32, #tpu.memory_space<vmem>>) dst(%dma_wait3A_780 : memref<128x128xf32, #tpu.memory_space<hbm>>)
      %add3A_785 = arith.constant 4 : i32
      %add3A_786 = arith.addi %add3A_739, %add3A_785 : i32
      %dma_start3A_787 = arith.constant 5 : i32
      %dma_start3A_788 = arith.constant 0 : i32
      %dma_start3A_789 = arith.constant 0 : i32
      %dma_start3A_790 = tpu.memref_slice %arg6[%dma_start3A_787, %dma_start3A_788, %dma_start3A_789] : memref<6x128x128xf32, #tpu.memory_space<vmem>> -> memref<1x128x128xf32, #tpu.memory_space<vmem>>
      %dma_start3A_791 = tpu.memref_squeeze %dma_start3A_790 : memref<1x128x128xf32, #tpu.memory_space<vmem>> -> memref<128x128xf32, #tpu.memory_space<vmem>>
      %dma_start3A_792 = arith.constant 0 : i32
      %dma_start3A_793 = tpu.memref_slice %arg5[%add3A_786, %dma_start3A_792] : memref<36x128xi32, #tpu.memory_space<vmem>> -> memref<1x128xi32, #tpu.memory_space<vmem>>
      %dma_start3A_794 = tpu.memref_squeeze %dma_start3A_793 : memref<1x128xi32, #tpu.memory_space<vmem>> -> memref<128xi32, #tpu.memory_space<vmem>>
      %dma_start3A_795 = arith.constant 0 : i32
      %dma_start3A_796 = arith.constant 0 : i32
      %dma_start3A_797 = tpu.memref_slice %arg7[%dma_start3A_795, %dma_start3A_796] : memref<96x128xf32, #tpu.memory_space<vmem_shared>> -> memref<96x128xf32, #tpu.memory_space<vmem_shared>>
      tpu.enqueue_indirect_dma source(%dma_start3A_797 : memref<96x128xf32, #tpu.memory_space<vmem_shared>>) target(%dma_start3A_791 : memref<128x128xf32, #tpu.memory_space<vmem>>) offsets(%dma_start3A_794 : memref<128xi32, #tpu.memory_space<vmem>>) semaphore(%arg13 : memref<!tpu.dma_semaphore, #tpu.memory_space<semaphore_mem>>)
      %add3A_798 = arith.constant 2 : i32
      %add3A_799 = arith.addi %mul3A_678, %add3A_798 : i32
      %dma_wait3A_800 = arith.constant 2 : i32
      %dma_wait3A_801 = arith.constant 0 : i32
      %dma_wait3A_802 = arith.constant 0 : i32
      %dma_wait3A_803 = tpu.memref_slice %arg6[%dma_wait3A_800, %dma_wait3A_801, %dma_wait3A_802] : memref<6x128x128xf32, #tpu.memory_space<vmem>> -> memref<1x128x128xf32, #tpu.memory_space<vmem>>
      %dma_wait3A_804 = tpu.memref_squeeze %dma_wait3A_803 : memref<1x128x128xf32, #tpu.memory_space<vmem>> -> memref<128x128xf32, #tpu.memory_space<vmem>>
      %dma_wait3A_805 = arith.constant 0 : i32
      %dma_wait3A_806 = tpu.memref_slice %arg5[%add3A_799, %dma_wait3A_805] : memref<36x128xi32, #tpu.memory_space<vmem>> -> memref<1x128xi32, #tpu.memory_space<vmem>>
      %dma_wait3A_807 = tpu.memref_squeeze %dma_wait3A_806 : memref<1x128xi32, #tpu.memory_space<vmem>> -> memref<128xi32, #tpu.memory_space<vmem>>
      %dma_wait3A_808 = arith.constant 0 : i32
      %dma_wait3A_809 = arith.constant 0 : i32
      %dma_wait3A_810 = tpu.memref_slice %arg7[%dma_wait3A_808, %dma_wait3A_809] : memref<96x128xf32, #tpu.memory_space<vmem_shared>> -> memref<96x128xf32, #tpu.memory_space<vmem_shared>>
      tpu.wait_indirect_dma semaphore(%arg10 : memref<!tpu.dma_semaphore, #tpu.memory_space<semaphore_mem>>) src(%dma_wait3A_810 : memref<96x128xf32, #tpu.memory_space<vmem_shared>>) dst(%dma_wait3A_804 : memref<128x128xf32, #tpu.memory_space<vmem>>)
      %mul3A_811 = arith.constant 128 : i32
      %mul3A_812 = arith.muli %add3A_799, %mul3A_811 : i32
      %add3A_813 = arith.addi %mul3A_22, %mul3A_812 : i32
      %dma_start3A_814 = arith.constant 2 : i32
      %dma_start3A_815 = arith.constant 0 : i32
      %dma_start3A_816 = arith.constant 0 : i32
      %dma_start3A_817 = tpu.memref_slice %arg6[%dma_start3A_814, %dma_start3A_815, %dma_start3A_816] : memref<6x128x128xf32, #tpu.memory_space<vmem>> -> memref<1x128x128xf32, #tpu.memory_space<vmem>>
      %dma_start3A_818 = tpu.memref_squeeze %dma_start3A_817 : memref<1x128x128xf32, #tpu.memory_space<vmem>> -> memref<128x128xf32, #tpu.memory_space<vmem>>
      %dma_start3A_819 = arith.constant 0 : i32
      %dma_start3A_820 = tpu.memref_slice %arg4[%add3A_813, %dma_start3A_819] : memref<147456x128xf32, #tpu.memory_space<hbm>> -> memref<128x128xf32, #tpu.memory_space<hbm>>
      %dma_start3A_821 = arith.constant 0 : i32
      %dma_start3A_822 = tpu.memref_slice %arg4[%add3A_813, %dma_start3A_821] : memref<147456x128xf32, #tpu.memory_space<hbm>> -> memref<128x128xf32, #tpu.memory_space<hbm>>
      %dma_start3A_823 = arith.constant 0 : i32
      %dma_start3A_824 = arith.constant 0 : i32
      %dma_start3A_825 = tpu.memref_slice %arg6[%dma_start3A_814, %dma_start3A_823, %dma_start3A_824] : memref<6x128x128xf32, #tpu.memory_space<vmem>> -> memref<1x128x128xf32, #tpu.memory_space<vmem>>
      %dma_start3A_826 = tpu.memref_squeeze %dma_start3A_825 : memref<1x128x128xf32, #tpu.memory_space<vmem>> -> memref<128x128xf32, #tpu.memory_space<vmem>>
      tpu.enqueue_dma source(%dma_start3A_826 : memref<128x128xf32, #tpu.memory_space<vmem>>) target(%dma_start3A_822 : memref<128x128xf32, #tpu.memory_space<hbm>>) target_semaphore(%arg16 : memref<!tpu.dma_semaphore, #tpu.memory_space<semaphore_mem>>)
      %sub3A_827 = arith.constant 2 : i32
      %sub3A_828 = arith.subi %add3A_799, %sub3A_827 : i32
      %mul3A_829 = arith.constant 128 : i32
      %mul3A_830 = arith.muli %sub3A_828, %mul3A_829 : i32
      %add3A_831 = arith.addi %mul3A_22, %mul3A_830 : i32
      %dma_wait3A_832 = arith.constant 0 : i32
      %dma_wait3A_833 = arith.constant 0 : i32
      %dma_wait3A_834 = arith.constant 0 : i32
      %dma_wait3A_835 = tpu.memref_slice %arg6[%dma_wait3A_832, %dma_wait3A_833, %dma_wait3A_834] : memref<6x128x128xf32, #tpu.memory_space<vmem>> -> memref<1x128x128xf32, #tpu.memory_space<vmem>>
      %dma_wait3A_836 = tpu.memref_squeeze %dma_wait3A_835 : memref<1x128x128xf32, #tpu.memory_space<vmem>> -> memref<128x128xf32, #tpu.memory_space<vmem>>
      %dma_wait3A_837 = arith.constant 0 : i32
      %dma_wait3A_838 = tpu.memref_slice %arg4[%add3A_831, %dma_wait3A_837] : memref<147456x128xf32, #tpu.memory_space<hbm>> -> memref<128x128xf32, #tpu.memory_space<hbm>>
      %dma_wait3A_839 = arith.constant 0 : i32
      %dma_wait3A_840 = tpu.memref_slice %arg4[%add3A_831, %dma_wait3A_839] : memref<147456x128xf32, #tpu.memory_space<hbm>> -> memref<128x128xf32, #tpu.memory_space<hbm>>
      %dma_wait3A_841 = arith.constant 0 : i32
      %dma_wait3A_842 = arith.constant 0 : i32
      %dma_wait3A_843 = tpu.memref_slice %arg6[%dma_wait3A_832, %dma_wait3A_841, %dma_wait3A_842] : memref<6x128x128xf32, #tpu.memory_space<vmem>> -> memref<1x128x128xf32, #tpu.memory_space<vmem>>
      %dma_wait3A_844 = tpu.memref_squeeze %dma_wait3A_843 : memref<1x128x128xf32, #tpu.memory_space<vmem>> -> memref<128x128xf32, #tpu.memory_space<vmem>>
      tpu.wait_dma2 semaphore(%arg14 : memref<!tpu.dma_semaphore, #tpu.memory_space<semaphore_mem>>) src(%dma_wait3A_844 : memref<128x128xf32, #tpu.memory_space<vmem>>) dst(%dma_wait3A_840 : memref<128x128xf32, #tpu.memory_space<hbm>>)
      %add3A_845 = arith.constant 4 : i32
      %add3A_846 = arith.addi %add3A_799, %add3A_845 : i32
      %dma_start3A_847 = arith.constant 0 : i32
      %dma_start3A_848 = arith.constant 0 : i32
      %dma_start3A_849 = arith.constant 0 : i32
      %dma_start3A_850 = tpu.memref_slice %arg6[%dma_start3A_847, %dma_start3A_848, %dma_start3A_849] : memref<6x128x128xf32, #tpu.memory_space<vmem>> -> memref<1x128x128xf32, #tpu.memory_space<vmem>>
      %dma_start3A_851 = tpu.memref_squeeze %dma_start3A_850 : memref<1x128x128xf32, #tpu.memory_space<vmem>> -> memref<128x128xf32, #tpu.memory_space<vmem>>
      %dma_start3A_852 = arith.constant 0 : i32
      %dma_start3A_853 = tpu.memref_slice %arg5[%add3A_846, %dma_start3A_852] : memref<36x128xi32, #tpu.memory_space<vmem>> -> memref<1x128xi32, #tpu.memory_space<vmem>>
      %dma_start3A_854 = tpu.memref_squeeze %dma_start3A_853 : memref<1x128xi32, #tpu.memory_space<vmem>> -> memref<128xi32, #tpu.memory_space<vmem>>
      %dma_start3A_855 = arith.constant 0 : i32
      %dma_start3A_856 = arith.constant 0 : i32
      %dma_start3A_857 = tpu.memref_slice %arg7[%dma_start3A_855, %dma_start3A_856] : memref<96x128xf32, #tpu.memory_space<vmem_shared>> -> memref<96x128xf32, #tpu.memory_space<vmem_shared>>
      tpu.enqueue_indirect_dma source(%dma_start3A_857 : memref<96x128xf32, #tpu.memory_space<vmem_shared>>) target(%dma_start3A_851 : memref<128x128xf32, #tpu.memory_space<vmem>>) offsets(%dma_start3A_854 : memref<128xi32, #tpu.memory_space<vmem>>) semaphore(%arg8 : memref<!tpu.dma_semaphore, #tpu.memory_space<semaphore_mem>>)
      %add3A_858 = arith.constant 3 : i32
      %add3A_859 = arith.addi %mul3A_678, %add3A_858 : i32
      %dma_wait3A_860 = arith.constant 3 : i32
      %dma_wait3A_861 = arith.constant 0 : i32
      %dma_wait3A_862 = arith.constant 0 : i32
      %dma_wait3A_863 = tpu.memref_slice %arg6[%dma_wait3A_860, %dma_wait3A_861, %dma_wait3A_862] : memref<6x128x128xf32, #tpu.memory_space<vmem>> -> memref<1x128x128xf32, #tpu.memory_space<vmem>>
      %dma_wait3A_864 = tpu.memref_squeeze %dma_wait3A_863 : memref<1x128x128xf32, #tpu.memory_space<vmem>> -> memref<128x128xf32, #tpu.memory_space<vmem>>
      %dma_wait3A_865 = arith.constant 0 : i32
      %dma_wait3A_866 = tpu.memref_slice %arg5[%add3A_859, %dma_wait3A_865] : memref<36x128xi32, #tpu.memory_space<vmem>> -> memref<1x128xi32, #tpu.memory_space<vmem>>
      %dma_wait3A_867 = tpu.memref_squeeze %dma_wait3A_866 : memref<1x128xi32, #tpu.memory_space<vmem>> -> memref<128xi32, #tpu.memory_space<vmem>>
      %dma_wait3A_868 = arith.constant 0 : i32
      %dma_wait3A_869 = arith.constant 0 : i32
      %dma_wait3A_870 = tpu.memref_slice %arg7[%dma_wait3A_868, %dma_wait3A_869] : memref<96x128xf32, #tpu.memory_space<vmem_shared>> -> memref<96x128xf32, #tpu.memory_space<vmem_shared>>
      tpu.wait_indirect_dma semaphore(%arg11 : memref<!tpu.dma_semaphore, #tpu.memory_space<semaphore_mem>>) src(%dma_wait3A_870 : memref<96x128xf32, #tpu.memory_space<vmem_shared>>) dst(%dma_wait3A_864 : memref<128x128xf32, #tpu.memory_space<vmem>>)
      %mul3A_871 = arith.constant 128 : i32
      %mul3A_872 = arith.muli %add3A_859, %mul3A_871 : i32
      %add3A_873 = arith.addi %mul3A_22, %mul3A_872 : i32
      %dma_start3A_874 = arith.constant 3 : i32
      %dma_start3A_875 = arith.constant 0 : i32
      %dma_start3A_876 = arith.constant 0 : i32
      %dma_start3A_877 = tpu.memref_slice %arg6[%dma_start3A_874, %dma_start3A_875, %dma_start3A_876] : memref<6x128x128xf32, #tpu.memory_space<vmem>> -> memref<1x128x128xf32, #tpu.memory_space<vmem>>
      %dma_start3A_878 = tpu.memref_squeeze %dma_start3A_877 : memref<1x128x128xf32, #tpu.memory_space<vmem>> -> memref<128x128xf32, #tpu.memory_space<vmem>>
      %dma_start3A_879 = arith.constant 0 : i32
      %dma_start3A_880 = tpu.memref_slice %arg4[%add3A_873, %dma_start3A_879] : memref<147456x128xf32, #tpu.memory_space<hbm>> -> memref<128x128xf32, #tpu.memory_space<hbm>>
      %dma_start3A_881 = arith.constant 0 : i32
      %dma_start3A_882 = tpu.memref_slice %arg4[%add3A_873, %dma_start3A_881] : memref<147456x128xf32, #tpu.memory_space<hbm>> -> memref<128x128xf32, #tpu.memory_space<hbm>>
      %dma_start3A_883 = arith.constant 0 : i32
      %dma_start3A_884 = arith.constant 0 : i32
      %dma_start3A_885 = tpu.memref_slice %arg6[%dma_start3A_874, %dma_start3A_883, %dma_start3A_884] : memref<6x128x128xf32, #tpu.memory_space<vmem>> -> memref<1x128x128xf32, #tpu.memory_space<vmem>>
      %dma_start3A_886 = tpu.memref_squeeze %dma_start3A_885 : memref<1x128x128xf32, #tpu.memory_space<vmem>> -> memref<128x128xf32, #tpu.memory_space<vmem>>
      tpu.enqueue_dma source(%dma_start3A_886 : memref<128x128xf32, #tpu.memory_space<vmem>>) target(%dma_start3A_882 : memref<128x128xf32, #tpu.memory_space<hbm>>) target_semaphore(%arg17 : memref<!tpu.dma_semaphore, #tpu.memory_space<semaphore_mem>>)
      %sub3A_887 = arith.constant 2 : i32
      %sub3A_888 = arith.subi %add3A_859, %sub3A_887 : i32
      %mul3A_889 = arith.constant 128 : i32
      %mul3A_890 = arith.muli %sub3A_888, %mul3A_889 : i32
      %add3A_891 = arith.addi %mul3A_22, %mul3A_890 : i32
      %dma_wait3A_892 = arith.constant 1 : i32
      %dma_wait3A_893 = arith.constant 0 : i32
      %dma_wait3A_894 = arith.constant 0 : i32
      %dma_wait3A_895 = tpu.memref_slice %arg6[%dma_wait3A_892, %dma_wait3A_893, %dma_wait3A_894] : memref<6x128x128xf32, #tpu.memory_space<vmem>> -> memref<1x128x128xf32, #tpu.memory_space<vmem>>
      %dma_wait3A_896 = tpu.memref_squeeze %dma_wait3A_895 : memref<1x128x128xf32, #tpu.memory_space<vmem>> -> memref<128x128xf32, #tpu.memory_space<vmem>>
      %dma_wait3A_897 = arith.constant 0 : i32
      %dma_wait3A_898 = tpu.memref_slice %arg4[%add3A_891, %dma_wait3A_897] : memref<147456x128xf32, #tpu.memory_space<hbm>> -> memref<128x128xf32, #tpu.memory_space<hbm>>
      %dma_wait3A_899 = arith.constant 0 : i32
      %dma_wait3A_900 = tpu.memref_slice %arg4[%add3A_891, %dma_wait3A_899] : memref<147456x128xf32, #tpu.memory_space<hbm>> -> memref<128x128xf32, #tpu.memory_space<hbm>>
      %dma_wait3A_901 = arith.constant 0 : i32
      %dma_wait3A_902 = arith.constant 0 : i32
      %dma_wait3A_903 = tpu.memref_slice %arg6[%dma_wait3A_892, %dma_wait3A_901, %dma_wait3A_902] : memref<6x128x128xf32, #tpu.memory_space<vmem>> -> memref<1x128x128xf32, #tpu.memory_space<vmem>>
      %dma_wait3A_904 = tpu.memref_squeeze %dma_wait3A_903 : memref<1x128x128xf32, #tpu.memory_space<vmem>> -> memref<128x128xf32, #tpu.memory_space<vmem>>
      tpu.wait_dma2 semaphore(%arg15 : memref<!tpu.dma_semaphore, #tpu.memory_space<semaphore_mem>>) src(%dma_wait3A_904 : memref<128x128xf32, #tpu.memory_space<vmem>>) dst(%dma_wait3A_900 : memref<128x128xf32, #tpu.memory_space<hbm>>)
      %add3A_905 = arith.constant 4 : i32
      %add3A_906 = arith.addi %add3A_859, %add3A_905 : i32
      %dma_start3A_907 = arith.constant 1 : i32
      %dma_start3A_908 = arith.constant 0 : i32
      %dma_start3A_909 = arith.constant 0 : i32
      %dma_start3A_910 = tpu.memref_slice %arg6[%dma_start3A_907, %dma_start3A_908, %dma_start3A_909] : memref<6x128x128xf32, #tpu.memory_space<vmem>> -> memref<1x128x128xf32, #tpu.memory_space<vmem>>
      %dma_start3A_911 = tpu.memref_squeeze %dma_start3A_910 : memref<1x128x128xf32, #tpu.memory_space<vmem>> -> memref<128x128xf32, #tpu.memory_space<vmem>>
      %dma_start3A_912 = arith.constant 0 : i32
      %dma_start3A_913 = tpu.memref_slice %arg5[%add3A_906, %dma_start3A_912] : memref<36x128xi32, #tpu.memory_space<vmem>> -> memref<1x128xi32, #tpu.memory_space<vmem>>
      %dma_start3A_914 = tpu.memref_squeeze %dma_start3A_913 : memref<1x128xi32, #tpu.memory_space<vmem>> -> memref<128xi32, #tpu.memory_space<vmem>>
      %dma_start3A_915 = arith.constant 0 : i32
      %dma_start3A_916 = arith.constant 0 : i32
      %dma_start3A_917 = tpu.memref_slice %arg7[%dma_start3A_915, %dma_start3A_916] : memref<96x128xf32, #tpu.memory_space<vmem_shared>> -> memref<96x128xf32, #tpu.memory_space<vmem_shared>>
      tpu.enqueue_indirect_dma source(%dma_start3A_917 : memref<96x128xf32, #tpu.memory_space<vmem_shared>>) target(%dma_start3A_911 : memref<128x128xf32, #tpu.memory_space<vmem>>) offsets(%dma_start3A_914 : memref<128xi32, #tpu.memory_space<vmem>>) semaphore(%arg9 : memref<!tpu.dma_semaphore, #tpu.memory_space<semaphore_mem>>)
      %add3A_918 = arith.constant 4 : i32
      %add3A_919 = arith.addi %mul3A_678, %add3A_918 : i32
      %dma_wait3A_920 = arith.constant 4 : i32
      %dma_wait3A_921 = arith.constant 0 : i32
      %dma_wait3A_922 = arith.constant 0 : i32
      %dma_wait3A_923 = tpu.memref_slice %arg6[%dma_wait3A_920, %dma_wait3A_921, %dma_wait3A_922] : memref<6x128x128xf32, #tpu.memory_space<vmem>> -> memref<1x128x128xf32, #tpu.memory_space<vmem>>
      %dma_wait3A_924 = tpu.memref_squeeze %dma_wait3A_923 : memref<1x128x128xf32, #tpu.memory_space<vmem>> -> memref<128x128xf32, #tpu.memory_space<vmem>>
      %dma_wait3A_925 = arith.constant 0 : i32
      %dma_wait3A_926 = tpu.memref_slice %arg5[%add3A_919, %dma_wait3A_925] : memref<36x128xi32, #tpu.memory_space<vmem>> -> memref<1x128xi32, #tpu.memory_space<vmem>>
      %dma_wait3A_927 = tpu.memref_squeeze %dma_wait3A_926 : memref<1x128xi32, #tpu.memory_space<vmem>> -> memref<128xi32, #tpu.memory_space<vmem>>
      %dma_wait3A_928 = arith.constant 0 : i32
      %dma_wait3A_929 = arith.constant 0 : i32
      %dma_wait3A_930 = tpu.memref_slice %arg7[%dma_wait3A_928, %dma_wait3A_929] : memref<96x128xf32, #tpu.memory_space<vmem_shared>> -> memref<96x128xf32, #tpu.memory_space<vmem_shared>>
      tpu.wait_indirect_dma semaphore(%arg12 : memref<!tpu.dma_semaphore, #tpu.memory_space<semaphore_mem>>) src(%dma_wait3A_930 : memref<96x128xf32, #tpu.memory_space<vmem_shared>>) dst(%dma_wait3A_924 : memref<128x128xf32, #tpu.memory_space<vmem>>)
      %mul3A_931 = arith.constant 128 : i32
      %mul3A_932 = arith.muli %add3A_919, %mul3A_931 : i32
      %add3A_933 = arith.addi %mul3A_22, %mul3A_932 : i32
      %dma_start3A_934 = arith.constant 4 : i32
      %dma_start3A_935 = arith.constant 0 : i32
      %dma_start3A_936 = arith.constant 0 : i32
      %dma_start3A_937 = tpu.memref_slice %arg6[%dma_start3A_934, %dma_start3A_935, %dma_start3A_936] : memref<6x128x128xf32, #tpu.memory_space<vmem>> -> memref<1x128x128xf32, #tpu.memory_space<vmem>>
      %dma_start3A_938 = tpu.memref_squeeze %dma_start3A_937 : memref<1x128x128xf32, #tpu.memory_space<vmem>> -> memref<128x128xf32, #tpu.memory_space<vmem>>
      %dma_start3A_939 = arith.constant 0 : i32
      %dma_start3A_940 = tpu.memref_slice %arg4[%add3A_933, %dma_start3A_939] : memref<147456x128xf32, #tpu.memory_space<hbm>> -> memref<128x128xf32, #tpu.memory_space<hbm>>
      %dma_start3A_941 = arith.constant 0 : i32
      %dma_start3A_942 = tpu.memref_slice %arg4[%add3A_933, %dma_start3A_941] : memref<147456x128xf32, #tpu.memory_space<hbm>> -> memref<128x128xf32, #tpu.memory_space<hbm>>
      %dma_start3A_943 = arith.constant 0 : i32
      %dma_start3A_944 = arith.constant 0 : i32
      %dma_start3A_945 = tpu.memref_slice %arg6[%dma_start3A_934, %dma_start3A_943, %dma_start3A_944] : memref<6x128x128xf32, #tpu.memory_space<vmem>> -> memref<1x128x128xf32, #tpu.memory_space<vmem>>
      %dma_start3A_946 = tpu.memref_squeeze %dma_start3A_945 : memref<1x128x128xf32, #tpu.memory_space<vmem>> -> memref<128x128xf32, #tpu.memory_space<vmem>>
      tpu.enqueue_dma source(%dma_start3A_946 : memref<128x128xf32, #tpu.memory_space<vmem>>) target(%dma_start3A_942 : memref<128x128xf32, #tpu.memory_space<hbm>>) target_semaphore(%arg18 : memref<!tpu.dma_semaphore, #tpu.memory_space<semaphore_mem>>)
      %sub3A_947 = arith.constant 2 : i32
      %sub3A_948 = arith.subi %add3A_919, %sub3A_947 : i32
      %mul3A_949 = arith.constant 128 : i32
      %mul3A_950 = arith.muli %sub3A_948, %mul3A_949 : i32
      %add3A_951 = arith.addi %mul3A_22, %mul3A_950 : i32
      %dma_wait3A_952 = arith.constant 2 : i32
      %dma_wait3A_953 = arith.constant 0 : i32
      %dma_wait3A_954 = arith.constant 0 : i32
      %dma_wait3A_955 = tpu.memref_slice %arg6[%dma_wait3A_952, %dma_wait3A_953, %dma_wait3A_954] : memref<6x128x128xf32, #tpu.memory_space<vmem>> -> memref<1x128x128xf32, #tpu.memory_space<vmem>>
      %dma_wait3A_956 = tpu.memref_squeeze %dma_wait3A_955 : memref<1x128x128xf32, #tpu.memory_space<vmem>> -> memref<128x128xf32, #tpu.memory_space<vmem>>
      %dma_wait3A_957 = arith.constant 0 : i32
      %dma_wait3A_958 = tpu.memref_slice %arg4[%add3A_951, %dma_wait3A_957] : memref<147456x128xf32, #tpu.memory_space<hbm>> -> memref<128x128xf32, #tpu.memory_space<hbm>>
      %dma_wait3A_959 = arith.constant 0 : i32
      %dma_wait3A_960 = tpu.memref_slice %arg4[%add3A_951, %dma_wait3A_959] : memref<147456x128xf32, #tpu.memory_space<hbm>> -> memref<128x128xf32, #tpu.memory_space<hbm>>
      %dma_wait3A_961 = arith.constant 0 : i32
      %dma_wait3A_962 = arith.constant 0 : i32
      %dma_wait3A_963 = tpu.memref_slice %arg6[%dma_wait3A_952, %dma_wait3A_961, %dma_wait3A_962] : memref<6x128x128xf32, #tpu.memory_space<vmem>> -> memref<1x128x128xf32, #tpu.memory_space<vmem>>
      %dma_wait3A_964 = tpu.memref_squeeze %dma_wait3A_963 : memref<1x128x128xf32, #tpu.memory_space<vmem>> -> memref<128x128xf32, #tpu.memory_space<vmem>>
      tpu.wait_dma2 semaphore(%arg16 : memref<!tpu.dma_semaphore, #tpu.memory_space<semaphore_mem>>) src(%dma_wait3A_964 : memref<128x128xf32, #tpu.memory_space<vmem>>) dst(%dma_wait3A_960 : memref<128x128xf32, #tpu.memory_space<hbm>>)
      %add3A_965 = arith.constant 4 : i32
      %add3A_966 = arith.addi %add3A_919, %add3A_965 : i32
      %dma_start3A_967 = arith.constant 2 : i32
      %dma_start3A_968 = arith.constant 0 : i32
      %dma_start3A_969 = arith.constant 0 : i32
      %dma_start3A_970 = tpu.memref_slice %arg6[%dma_start3A_967, %dma_start3A_968, %dma_start3A_969] : memref<6x128x128xf32, #tpu.memory_space<vmem>> -> memref<1x128x128xf32, #tpu.memory_space<vmem>>
      %dma_start3A_971 = tpu.memref_squeeze %dma_start3A_970 : memref<1x128x128xf32, #tpu.memory_space<vmem>> -> memref<128x128xf32, #tpu.memory_space<vmem>>
      %dma_start3A_972 = arith.constant 0 : i32
      %dma_start3A_973 = tpu.memref_slice %arg5[%add3A_966, %dma_start3A_972] : memref<36x128xi32, #tpu.memory_space<vmem>> -> memref<1x128xi32, #tpu.memory_space<vmem>>
      %dma_start3A_974 = tpu.memref_squeeze %dma_start3A_973 : memref<1x128xi32, #tpu.memory_space<vmem>> -> memref<128xi32, #tpu.memory_space<vmem>>
      %dma_start3A_975 = arith.constant 0 : i32
      %dma_start3A_976 = arith.constant 0 : i32
      %dma_start3A_977 = tpu.memref_slice %arg7[%dma_start3A_975, %dma_start3A_976] : memref<96x128xf32, #tpu.memory_space<vmem_shared>> -> memref<96x128xf32, #tpu.memory_space<vmem_shared>>
      tpu.enqueue_indirect_dma source(%dma_start3A_977 : memref<96x128xf32, #tpu.memory_space<vmem_shared>>) target(%dma_start3A_971 : memref<128x128xf32, #tpu.memory_space<vmem>>) offsets(%dma_start3A_974 : memref<128xi32, #tpu.memory_space<vmem>>) semaphore(%arg10 : memref<!tpu.dma_semaphore, #tpu.memory_space<semaphore_mem>>)
      %add3A_978 = arith.constant 5 : i32
      %add3A_979 = arith.addi %mul3A_678, %add3A_978 : i32
      %dma_wait3A_980 = arith.constant 5 : i32
      %dma_wait3A_981 = arith.constant 0 : i32
      %dma_wait3A_982 = arith.constant 0 : i32
      %dma_wait3A_983 = tpu.memref_slice %arg6[%dma_wait3A_980, %dma_wait3A_981, %dma_wait3A_982] : memref<6x128x128xf32, #tpu.memory_space<vmem>> -> memref<1x128x128xf32, #tpu.memory_space<vmem>>
      %dma_wait3A_984 = tpu.memref_squeeze %dma_wait3A_983 : memref<1x128x128xf32, #tpu.memory_space<vmem>> -> memref<128x128xf32, #tpu.memory_space<vmem>>
      %dma_wait3A_985 = arith.constant 0 : i32
      %dma_wait3A_986 = tpu.memref_slice %arg5[%add3A_979, %dma_wait3A_985] : memref<36x128xi32, #tpu.memory_space<vmem>> -> memref<1x128xi32, #tpu.memory_space<vmem>>
      %dma_wait3A_987 = tpu.memref_squeeze %dma_wait3A_986 : memref<1x128xi32, #tpu.memory_space<vmem>> -> memref<128xi32, #tpu.memory_space<vmem>>
      %dma_wait3A_988 = arith.constant 0 : i32
      %dma_wait3A_989 = arith.constant 0 : i32
      %dma_wait3A_990 = tpu.memref_slice %arg7[%dma_wait3A_988, %dma_wait3A_989] : memref<96x128xf32, #tpu.memory_space<vmem_shared>> -> memref<96x128xf32, #tpu.memory_space<vmem_shared>>
      tpu.wait_indirect_dma semaphore(%arg13 : memref<!tpu.dma_semaphore, #tpu.memory_space<semaphore_mem>>) src(%dma_wait3A_990 : memref<96x128xf32, #tpu.memory_space<vmem_shared>>) dst(%dma_wait3A_984 : memref<128x128xf32, #tpu.memory_space<vmem>>)
      %mul3A_991 = arith.constant 128 : i32
      %mul3A_992 = arith.muli %add3A_979, %mul3A_991 : i32
      %add3A_993 = arith.addi %mul3A_22, %mul3A_992 : i32
      %dma_start3A_994 = arith.constant 5 : i32
      %dma_start3A_995 = arith.constant 0 : i32
      %dma_start3A_996 = arith.constant 0 : i32
      %dma_start3A_997 = tpu.memref_slice %arg6[%dma_start3A_994, %dma_start3A_995, %dma_start3A_996] : memref<6x128x128xf32, #tpu.memory_space<vmem>> -> memref<1x128x128xf32, #tpu.memory_space<vmem>>
      %dma_start3A_998 = tpu.memref_squeeze %dma_start3A_997 : memref<1x128x128xf32, #tpu.memory_space<vmem>> -> memref<128x128xf32, #tpu.memory_space<vmem>>
      %dma_start3A_999 = arith.constant 0 : i32
      %dma_start3A_1000 = tpu.memref_slice %arg4[%add3A_993, %dma_start3A_999] : memref<147456x128xf32, #tpu.memory_space<hbm>> -> memref<128x128xf32, #tpu.memory_space<hbm>>
      %dma_start3A_1001 = arith.constant 0 : i32
      %dma_start3A_1002 = tpu.memref_slice %arg4[%add3A_993, %dma_start3A_1001] : memref<147456x128xf32, #tpu.memory_space<hbm>> -> memref<128x128xf32, #tpu.memory_space<hbm>>
      %dma_start3A_1003 = arith.constant 0 : i32
      %dma_start3A_1004 = arith.constant 0 : i32
      %dma_start3A_1005 = tpu.memref_slice %arg6[%dma_start3A_994, %dma_start3A_1003, %dma_start3A_1004] : memref<6x128x128xf32, #tpu.memory_space<vmem>> -> memref<1x128x128xf32, #tpu.memory_space<vmem>>
      %dma_start3A_1006 = tpu.memref_squeeze %dma_start3A_1005 : memref<1x128x128xf32, #tpu.memory_space<vmem>> -> memref<128x128xf32, #tpu.memory_space<vmem>>
      tpu.enqueue_dma source(%dma_start3A_1006 : memref<128x128xf32, #tpu.memory_space<vmem>>) target(%dma_start3A_1002 : memref<128x128xf32, #tpu.memory_space<hbm>>) target_semaphore(%arg19 : memref<!tpu.dma_semaphore, #tpu.memory_space<semaphore_mem>>)
      %sub3A_1007 = arith.constant 2 : i32
      %sub3A_1008 = arith.subi %add3A_979, %sub3A_1007 : i32
      %mul3A_1009 = arith.constant 128 : i32
      %mul3A_1010 = arith.muli %sub3A_1008, %mul3A_1009 : i32
      %add3A_1011 = arith.addi %mul3A_22, %mul3A_1010 : i32
      %dma_wait3A_1012 = arith.constant 3 : i32
      %dma_wait3A_1013 = arith.constant 0 : i32
      %dma_wait3A_1014 = arith.constant 0 : i32
      %dma_wait3A_1015 = tpu.memref_slice %arg6[%dma_wait3A_1012, %dma_wait3A_1013, %dma_wait3A_1014] : memref<6x128x128xf32, #tpu.memory_space<vmem>> -> memref<1x128x128xf32, #tpu.memory_space<vmem>>
      %dma_wait3A_1016 = tpu.memref_squeeze %dma_wait3A_1015 : memref<1x128x128xf32, #tpu.memory_space<vmem>> -> memref<128x128xf32, #tpu.memory_space<vmem>>
      %dma_wait3A_1017 = arith.constant 0 : i32
      %dma_wait3A_1018 = tpu.memref_slice %arg4[%add3A_1011, %dma_wait3A_1017] : memref<147456x128xf32, #tpu.memory_space<hbm>> -> memref<128x128xf32, #tpu.memory_space<hbm>>
      %dma_wait3A_1019 = arith.constant 0 : i32
      %dma_wait3A_1020 = tpu.memref_slice %arg4[%add3A_1011, %dma_wait3A_1019] : memref<147456x128xf32, #tpu.memory_space<hbm>> -> memref<128x128xf32, #tpu.memory_space<hbm>>
      %dma_wait3A_1021 = arith.constant 0 : i32
      %dma_wait3A_1022 = arith.constant 0 : i32
      %dma_wait3A_1023 = tpu.memref_slice %arg6[%dma_wait3A_1012, %dma_wait3A_1021, %dma_wait3A_1022] : memref<6x128x128xf32, #tpu.memory_space<vmem>> -> memref<1x128x128xf32, #tpu.memory_space<vmem>>
      %dma_wait3A_1024 = tpu.memref_squeeze %dma_wait3A_1023 : memref<1x128x128xf32, #tpu.memory_space<vmem>> -> memref<128x128xf32, #tpu.memory_space<vmem>>
      tpu.wait_dma2 semaphore(%arg17 : memref<!tpu.dma_semaphore, #tpu.memory_space<semaphore_mem>>) src(%dma_wait3A_1024 : memref<128x128xf32, #tpu.memory_space<vmem>>) dst(%dma_wait3A_1020 : memref<128x128xf32, #tpu.memory_space<hbm>>)
      %add3A_1025 = arith.constant 4 : i32
      %add3A_1026 = arith.addi %add3A_979, %add3A_1025 : i32
      %dma_start3A_1027 = arith.constant 3 : i32
      %dma_start3A_1028 = arith.constant 0 : i32
      %dma_start3A_1029 = arith.constant 0 : i32
      %dma_start3A_1030 = tpu.memref_slice %arg6[%dma_start3A_1027, %dma_start3A_1028, %dma_start3A_1029] : memref<6x128x128xf32, #tpu.memory_space<vmem>> -> memref<1x128x128xf32, #tpu.memory_space<vmem>>
      %dma_start3A_1031 = tpu.memref_squeeze %dma_start3A_1030 : memref<1x128x128xf32, #tpu.memory_space<vmem>> -> memref<128x128xf32, #tpu.memory_space<vmem>>
      %dma_start3A_1032 = arith.constant 0 : i32
      %dma_start3A_1033 = tpu.memref_slice %arg5[%add3A_1026, %dma_start3A_1032] : memref<36x128xi32, #tpu.memory_space<vmem>> -> memref<1x128xi32, #tpu.memory_space<vmem>>
      %dma_start3A_1034 = tpu.memref_squeeze %dma_start3A_1033 : memref<1x128xi32, #tpu.memory_space<vmem>> -> memref<128xi32, #tpu.memory_space<vmem>>
      %dma_start3A_1035 = arith.constant 0 : i32
      %dma_start3A_1036 = arith.constant 0 : i32
      %dma_start3A_1037 = tpu.memref_slice %arg7[%dma_start3A_1035, %dma_start3A_1036] : memref<96x128xf32, #tpu.memory_space<vmem_shared>> -> memref<96x128xf32, #tpu.memory_space<vmem_shared>>
      tpu.enqueue_indirect_dma source(%dma_start3A_1037 : memref<96x128xf32, #tpu.memory_space<vmem_shared>>) target(%dma_start3A_1031 : memref<128x128xf32, #tpu.memory_space<vmem>>) offsets(%dma_start3A_1034 : memref<128xi32, #tpu.memory_space<vmem>>) semaphore(%arg11 : memref<!tpu.dma_semaphore, #tpu.memory_space<semaphore_mem>>)
    }
    %scan3A_369 = arith.constant 4 : i32
    %dma_wait3A_370 = arith.constant 30 : i32
    %dma_wait3A_371 = arith.constant 0 : i32
    %dma_wait3A_372 = arith.constant 0 : i32
    %dma_wait3A_373 = arith.constant 0 : i32
    %dma_wait3A_374 = tpu.memref_slice %arg6[%dma_wait3A_371, %dma_wait3A_372, %dma_wait3A_373] : memref<6x128x128xf32, #tpu.memory_space<vmem>> -> memref<1x128x128xf32, #tpu.memory_space<vmem>>
    %dma_wait3A_375 = tpu.memref_squeeze %dma_wait3A_374 : memref<1x128x128xf32, #tpu.memory_space<vmem>> -> memref<128x128xf32, #tpu.memory_space<vmem>>
    %dma_wait3A_376 = arith.constant 0 : i32
    %dma_wait3A_377 = tpu.memref_slice %arg5[%dma_wait3A_370, %dma_wait3A_376] : memref<36x128xi32, #tpu.memory_space<vmem>> -> memref<1x128xi32, #tpu.memory_space<vmem>>
    %dma_wait3A_378 = tpu.memref_squeeze %dma_wait3A_377 : memref<1x128xi32, #tpu.memory_space<vmem>> -> memref<128xi32, #tpu.memory_space<vmem>>
    %dma_wait3A_379 = arith.constant 0 : i32
    %dma_wait3A_380 = arith.constant 0 : i32
    %dma_wait3A_381 = tpu.memref_slice %arg7[%dma_wait3A_379, %dma_wait3A_380] : memref<96x128xf32, #tpu.memory_space<vmem_shared>> -> memref<96x128xf32, #tpu.memory_space<vmem_shared>>
    tpu.wait_indirect_dma semaphore(%arg8 : memref<!tpu.dma_semaphore, #tpu.memory_space<semaphore_mem>>) src(%dma_wait3A_381 : memref<96x128xf32, #tpu.memory_space<vmem_shared>>) dst(%dma_wait3A_375 : memref<128x128xf32, #tpu.memory_space<vmem>>)
    %add3A_382 = arith.constant 3840 : i32
    %add3A_383 = arith.addi %mul3A_22, %add3A_382 : i32
    %dma_start3A_384 = arith.constant 0 : i32
    %dma_start3A_385 = arith.constant 0 : i32
    %dma_start3A_386 = arith.constant 0 : i32
    %dma_start3A_387 = tpu.memref_slice %arg6[%dma_start3A_384, %dma_start3A_385, %dma_start3A_386] : memref<6x128x128xf32, #tpu.memory_space<vmem>> -> memref<1x128x128xf32, #tpu.memory_space<vmem>>
    %dma_start3A_388 = tpu.memref_squeeze %dma_start3A_387 : memref<1x128x128xf32, #tpu.memory_space<vmem>> -> memref<128x128xf32, #tpu.memory_space<vmem>>
    %dma_start3A_389 = arith.constant 0 : i32
    %dma_start3A_390 = tpu.memref_slice %arg4[%add3A_383, %dma_start3A_389] : memref<147456x128xf32, #tpu.memory_space<hbm>> -> memref<128x128xf32, #tpu.memory_space<hbm>>
    %dma_start3A_391 = arith.constant 0 : i32
    %dma_start3A_392 = tpu.memref_slice %arg4[%add3A_383, %dma_start3A_391] : memref<147456x128xf32, #tpu.memory_space<hbm>> -> memref<128x128xf32, #tpu.memory_space<hbm>>
    %dma_start3A_393 = arith.constant 0 : i32
    %dma_start3A_394 = arith.constant 0 : i32
    %dma_start3A_395 = tpu.memref_slice %arg6[%dma_start3A_384, %dma_start3A_393, %dma_start3A_394] : memref<6x128x128xf32, #tpu.memory_space<vmem>> -> memref<1x128x128xf32, #tpu.memory_space<vmem>>
    %dma_start3A_396 = tpu.memref_squeeze %dma_start3A_395 : memref<1x128x128xf32, #tpu.memory_space<vmem>> -> memref<128x128xf32, #tpu.memory_space<vmem>>
    tpu.enqueue_dma source(%dma_start3A_396 : memref<128x128xf32, #tpu.memory_space<vmem>>) target(%dma_start3A_392 : memref<128x128xf32, #tpu.memory_space<hbm>>) target_semaphore(%arg14 : memref<!tpu.dma_semaphore, #tpu.memory_space<semaphore_mem>>)
    %add3A_397 = arith.constant 3584 : i32
    %add3A_398 = arith.addi %mul3A_22, %add3A_397 : i32
    %dma_wait3A_399 = arith.constant 4 : i32
    %dma_wait3A_400 = arith.constant 0 : i32
    %dma_wait3A_401 = arith.constant 0 : i32
    %dma_wait3A_402 = tpu.memref_slice %arg6[%dma_wait3A_399, %dma_wait3A_400, %dma_wait3A_401] : memref<6x128x128xf32, #tpu.memory_space<vmem>> -> memref<1x128x128xf32, #tpu.memory_space<vmem>>
    %dma_wait3A_403 = tpu.memref_squeeze %dma_wait3A_402 : memref<1x128x128xf32, #tpu.memory_space<vmem>> -> memref<128x128xf32, #tpu.memory_space<vmem>>
    %dma_wait3A_404 = arith.constant 0 : i32
    %dma_wait3A_405 = tpu.memref_slice %arg4[%add3A_398, %dma_wait3A_404] : memref<147456x128xf32, #tpu.memory_space<hbm>> -> memref<128x128xf32, #tpu.memory_space<hbm>>
    %dma_wait3A_406 = arith.constant 0 : i32
    %dma_wait3A_407 = tpu.memref_slice %arg4[%add3A_398, %dma_wait3A_406] : memref<147456x128xf32, #tpu.memory_space<hbm>> -> memref<128x128xf32, #tpu.memory_space<hbm>>
    %dma_wait3A_408 = arith.constant 0 : i32
    %dma_wait3A_409 = arith.constant 0 : i32
    %dma_wait3A_410 = tpu.memref_slice %arg6[%dma_wait3A_399, %dma_wait3A_408, %dma_wait3A_409] : memref<6x128x128xf32, #tpu.memory_space<vmem>> -> memref<1x128x128xf32, #tpu.memory_space<vmem>>
    %dma_wait3A_411 = tpu.memref_squeeze %dma_wait3A_410 : memref<1x128x128xf32, #tpu.memory_space<vmem>> -> memref<128x128xf32, #tpu.memory_space<vmem>>
    tpu.wait_dma2 semaphore(%arg18 : memref<!tpu.dma_semaphore, #tpu.memory_space<semaphore_mem>>) src(%dma_wait3A_411 : memref<128x128xf32, #tpu.memory_space<vmem>>) dst(%dma_wait3A_407 : memref<128x128xf32, #tpu.memory_space<hbm>>)
    %dma_start3A_412 = arith.constant 34 : i32
    %dma_start3A_413 = arith.constant 4 : i32
    %dma_start3A_414 = arith.constant 0 : i32
    %dma_start3A_415 = arith.constant 0 : i32
    %dma_start3A_416 = tpu.memref_slice %arg6[%dma_start3A_413, %dma_start3A_414, %dma_start3A_415] : memref<6x128x128xf32, #tpu.memory_space<vmem>> -> memref<1x128x128xf32, #tpu.memory_space<vmem>>
    %dma_start3A_417 = tpu.memref_squeeze %dma_start3A_416 : memref<1x128x128xf32, #tpu.memory_space<vmem>> -> memref<128x128xf32, #tpu.memory_space<vmem>>
    %dma_start3A_418 = arith.constant 0 : i32
    %dma_start3A_419 = tpu.memref_slice %arg5[%dma_start3A_412, %dma_start3A_418] : memref<36x128xi32, #tpu.memory_space<vmem>> -> memref<1x128xi32, #tpu.memory_space<vmem>>
    %dma_start3A_420 = tpu.memref_squeeze %dma_start3A_419 : memref<1x128xi32, #tpu.memory_space<vmem>> -> memref<128xi32, #tpu.memory_space<vmem>>
    %dma_start3A_421 = arith.constant 0 : i32
    %dma_start3A_422 = arith.constant 0 : i32
    %dma_start3A_423 = tpu.memref_slice %arg7[%dma_start3A_421, %dma_start3A_422] : memref<96x128xf32, #tpu.memory_space<vmem_shared>> -> memref<96x128xf32, #tpu.memory_space<vmem_shared>>
    tpu.enqueue_indirect_dma source(%dma_start3A_423 : memref<96x128xf32, #tpu.memory_space<vmem_shared>>) target(%dma_start3A_417 : memref<128x128xf32, #tpu.memory_space<vmem>>) offsets(%dma_start3A_420 : memref<128xi32, #tpu.memory_space<vmem>>) semaphore(%arg12 : memref<!tpu.dma_semaphore, #tpu.memory_space<semaphore_mem>>)
    %dma_wait3A_424 = arith.constant 31 : i32
    %dma_wait3A_425 = arith.constant 1 : i32
    %dma_wait3A_426 = arith.constant 0 : i32
    %dma_wait3A_427 = arith.constant 0 : i32
    %dma_wait3A_428 = tpu.memref_slice %arg6[%dma_wait3A_425, %dma_wait3A_426, %dma_wait3A_427] : memref<6x128x128xf32, #tpu.memory_space<vmem>> -> memref<1x128x128xf32, #tpu.memory_space<vmem>>
    %dma_wait3A_429 = tpu.memref_squeeze %dma_wait3A_428 : memref<1x128x128xf32, #tpu.memory_space<vmem>> -> memref<128x128xf32, #tpu.memory_space<vmem>>
    %dma_wait3A_430 = arith.constant 0 : i32
    %dma_wait3A_431 = tpu.memref_slice %arg5[%dma_wait3A_424, %dma_wait3A_430] : memref<36x128xi32, #tpu.memory_space<vmem>> -> memref<1x128xi32, #tpu.memory_space<vmem>>
    %dma_wait3A_432 = tpu.memref_squeeze %dma_wait3A_431 : memref<1x128xi32, #tpu.memory_space<vmem>> -> memref<128xi32, #tpu.memory_space<vmem>>
    %dma_wait3A_433 = arith.constant 0 : i32
    %dma_wait3A_434 = arith.constant 0 : i32
    %dma_wait3A_435 = tpu.memref_slice %arg7[%dma_wait3A_433, %dma_wait3A_434] : memref<96x128xf32, #tpu.memory_space<vmem_shared>> -> memref<96x128xf32, #tpu.memory_space<vmem_shared>>
    tpu.wait_indirect_dma semaphore(%arg9 : memref<!tpu.dma_semaphore, #tpu.memory_space<semaphore_mem>>) src(%dma_wait3A_435 : memref<96x128xf32, #tpu.memory_space<vmem_shared>>) dst(%dma_wait3A_429 : memref<128x128xf32, #tpu.memory_space<vmem>>)
    %add3A_436 = arith.constant 3968 : i32
    %add3A_437 = arith.addi %mul3A_22, %add3A_436 : i32
    %dma_start3A_438 = arith.constant 1 : i32
    %dma_start3A_439 = arith.constant 0 : i32
    %dma_start3A_440 = arith.constant 0 : i32
    %dma_start3A_441 = tpu.memref_slice %arg6[%dma_start3A_438, %dma_start3A_439, %dma_start3A_440] : memref<6x128x128xf32, #tpu.memory_space<vmem>> -> memref<1x128x128xf32, #tpu.memory_space<vmem>>
    %dma_start3A_442 = tpu.memref_squeeze %dma_start3A_441 : memref<1x128x128xf32, #tpu.memory_space<vmem>> -> memref<128x128xf32, #tpu.memory_space<vmem>>
    %dma_start3A_443 = arith.constant 0 : i32
    %dma_start3A_444 = tpu.memref_slice %arg4[%add3A_437, %dma_start3A_443] : memref<147456x128xf32, #tpu.memory_space<hbm>> -> memref<128x128xf32, #tpu.memory_space<hbm>>
    %dma_start3A_445 = arith.constant 0 : i32
    %dma_start3A_446 = tpu.memref_slice %arg4[%add3A_437, %dma_start3A_445] : memref<147456x128xf32, #tpu.memory_space<hbm>> -> memref<128x128xf32, #tpu.memory_space<hbm>>
    %dma_start3A_447 = arith.constant 0 : i32
    %dma_start3A_448 = arith.constant 0 : i32
    %dma_start3A_449 = tpu.memref_slice %arg6[%dma_start3A_438, %dma_start3A_447, %dma_start3A_448] : memref<6x128x128xf32, #tpu.memory_space<vmem>> -> memref<1x128x128xf32, #tpu.memory_space<vmem>>
    %dma_start3A_450 = tpu.memref_squeeze %dma_start3A_449 : memref<1x128x128xf32, #tpu.memory_space<vmem>> -> memref<128x128xf32, #tpu.memory_space<vmem>>
    tpu.enqueue_dma source(%dma_start3A_450 : memref<128x128xf32, #tpu.memory_space<vmem>>) target(%dma_start3A_446 : memref<128x128xf32, #tpu.memory_space<hbm>>) target_semaphore(%arg15 : memref<!tpu.dma_semaphore, #tpu.memory_space<semaphore_mem>>)
    %add3A_451 = arith.constant 3712 : i32
    %add3A_452 = arith.addi %mul3A_22, %add3A_451 : i32
    %dma_wait3A_453 = arith.constant 5 : i32
    %dma_wait3A_454 = arith.constant 0 : i32
    %dma_wait3A_455 = arith.constant 0 : i32
    %dma_wait3A_456 = tpu.memref_slice %arg6[%dma_wait3A_453, %dma_wait3A_454, %dma_wait3A_455] : memref<6x128x128xf32, #tpu.memory_space<vmem>> -> memref<1x128x128xf32, #tpu.memory_space<vmem>>
    %dma_wait3A_457 = tpu.memref_squeeze %dma_wait3A_456 : memref<1x128x128xf32, #tpu.memory_space<vmem>> -> memref<128x128xf32, #tpu.memory_space<vmem>>
    %dma_wait3A_458 = arith.constant 0 : i32
    %dma_wait3A_459 = tpu.memref_slice %arg4[%add3A_452, %dma_wait3A_458] : memref<147456x128xf32, #tpu.memory_space<hbm>> -> memref<128x128xf32, #tpu.memory_space<hbm>>
    %dma_wait3A_460 = arith.constant 0 : i32
    %dma_wait3A_461 = tpu.memref_slice %arg4[%add3A_452, %dma_wait3A_460] : memref<147456x128xf32, #tpu.memory_space<hbm>> -> memref<128x128xf32, #tpu.memory_space<hbm>>
    %dma_wait3A_462 = arith.constant 0 : i32
    %dma_wait3A_463 = arith.constant 0 : i32
    %dma_wait3A_464 = tpu.memref_slice %arg6[%dma_wait3A_453, %dma_wait3A_462, %dma_wait3A_463] : memref<6x128x128xf32, #tpu.memory_space<vmem>> -> memref<1x128x128xf32, #tpu.memory_space<vmem>>
    %dma_wait3A_465 = tpu.memref_squeeze %dma_wait3A_464 : memref<1x128x128xf32, #tpu.memory_space<vmem>> -> memref<128x128xf32, #tpu.memory_space<vmem>>
    tpu.wait_dma2 semaphore(%arg19 : memref<!tpu.dma_semaphore, #tpu.memory_space<semaphore_mem>>) src(%dma_wait3A_465 : memref<128x128xf32, #tpu.memory_space<vmem>>) dst(%dma_wait3A_461 : memref<128x128xf32, #tpu.memory_space<hbm>>)
    %dma_start3A_466 = arith.constant 35 : i32
    %dma_start3A_467 = arith.constant 5 : i32
    %dma_start3A_468 = arith.constant 0 : i32
    %dma_start3A_469 = arith.constant 0 : i32
    %dma_start3A_470 = tpu.memref_slice %arg6[%dma_start3A_467, %dma_start3A_468, %dma_start3A_469] : memref<6x128x128xf32, #tpu.memory_space<vmem>> -> memref<1x128x128xf32, #tpu.memory_space<vmem>>
    %dma_start3A_471 = tpu.memref_squeeze %dma_start3A_470 : memref<1x128x128xf32, #tpu.memory_space<vmem>> -> memref<128x128xf32, #tpu.memory_space<vmem>>
    %dma_start3A_472 = arith.constant 0 : i32
    %dma_start3A_473 = tpu.memref_slice %arg5[%dma_start3A_466, %dma_start3A_472] : memref<36x128xi32, #tpu.memory_space<vmem>> -> memref<1x128xi32, #tpu.memory_space<vmem>>
    %dma_start3A_474 = tpu.memref_squeeze %dma_start3A_473 : memref<1x128xi32, #tpu.memory_space<vmem>> -> memref<128xi32, #tpu.memory_space<vmem>>
    %dma_start3A_475 = arith.constant 0 : i32
    %dma_start3A_476 = arith.constant 0 : i32
    %dma_start3A_477 = tpu.memref_slice %arg7[%dma_start3A_475, %dma_start3A_476] : memref<96x128xf32, #tpu.memory_space<vmem_shared>> -> memref<96x128xf32, #tpu.memory_space<vmem_shared>>
    tpu.enqueue_indirect_dma source(%dma_start3A_477 : memref<96x128xf32, #tpu.memory_space<vmem_shared>>) target(%dma_start3A_471 : memref<128x128xf32, #tpu.memory_space<vmem>>) offsets(%dma_start3A_474 : memref<128xi32, #tpu.memory_space<vmem>>) semaphore(%arg13 : memref<!tpu.dma_semaphore, #tpu.memory_space<semaphore_mem>>)
    %dma_wait3A_478 = arith.constant 32 : i32
    %dma_wait3A_479 = arith.constant 2 : i32
    %dma_wait3A_480 = arith.constant 0 : i32
    %dma_wait3A_481 = arith.constant 0 : i32
    %dma_wait3A_482 = tpu.memref_slice %arg6[%dma_wait3A_479, %dma_wait3A_480, %dma_wait3A_481] : memref<6x128x128xf32, #tpu.memory_space<vmem>> -> memref<1x128x128xf32, #tpu.memory_space<vmem>>
    %dma_wait3A_483 = tpu.memref_squeeze %dma_wait3A_482 : memref<1x128x128xf32, #tpu.memory_space<vmem>> -> memref<128x128xf32, #tpu.memory_space<vmem>>
    %dma_wait3A_484 = arith.constant 0 : i32
    %dma_wait3A_485 = tpu.memref_slice %arg5[%dma_wait3A_478, %dma_wait3A_484] : memref<36x128xi32, #tpu.memory_space<vmem>> -> memref<1x128xi32, #tpu.memory_space<vmem>>
    %dma_wait3A_486 = tpu.memref_squeeze %dma_wait3A_485 : memref<1x128xi32, #tpu.memory_space<vmem>> -> memref<128xi32, #tpu.memory_space<vmem>>
    %dma_wait3A_487 = arith.constant 0 : i32
    %dma_wait3A_488 = arith.constant 0 : i32
    %dma_wait3A_489 = tpu.memref_slice %arg7[%dma_wait3A_487, %dma_wait3A_488] : memref<96x128xf32, #tpu.memory_space<vmem_shared>> -> memref<96x128xf32, #tpu.memory_space<vmem_shared>>
    tpu.wait_indirect_dma semaphore(%arg10 : memref<!tpu.dma_semaphore, #tpu.memory_space<semaphore_mem>>) src(%dma_wait3A_489 : memref<96x128xf32, #tpu.memory_space<vmem_shared>>) dst(%dma_wait3A_483 : memref<128x128xf32, #tpu.memory_space<vmem>>)
    %add3A_490 = arith.constant 4096 : i32
    %add3A_491 = arith.addi %mul3A_22, %add3A_490 : i32
    %dma_start3A_492 = arith.constant 2 : i32
    %dma_start3A_493 = arith.constant 0 : i32
    %dma_start3A_494 = arith.constant 0 : i32
    %dma_start3A_495 = tpu.memref_slice %arg6[%dma_start3A_492, %dma_start3A_493, %dma_start3A_494] : memref<6x128x128xf32, #tpu.memory_space<vmem>> -> memref<1x128x128xf32, #tpu.memory_space<vmem>>
    %dma_start3A_496 = tpu.memref_squeeze %dma_start3A_495 : memref<1x128x128xf32, #tpu.memory_space<vmem>> -> memref<128x128xf32, #tpu.memory_space<vmem>>
    %dma_start3A_497 = arith.constant 0 : i32
    %dma_start3A_498 = tpu.memref_slice %arg4[%add3A_491, %dma_start3A_497] : memref<147456x128xf32, #tpu.memory_space<hbm>> -> memref<128x128xf32, #tpu.memory_space<hbm>>
    %dma_start3A_499 = arith.constant 0 : i32
    %dma_start3A_500 = tpu.memref_slice %arg4[%add3A_491, %dma_start3A_499] : memref<147456x128xf32, #tpu.memory_space<hbm>> -> memref<128x128xf32, #tpu.memory_space<hbm>>
    %dma_start3A_501 = arith.constant 0 : i32
    %dma_start3A_502 = arith.constant 0 : i32
    %dma_start3A_503 = tpu.memref_slice %arg6[%dma_start3A_492, %dma_start3A_501, %dma_start3A_502] : memref<6x128x128xf32, #tpu.memory_space<vmem>> -> memref<1x128x128xf32, #tpu.memory_space<vmem>>
    %dma_start3A_504 = tpu.memref_squeeze %dma_start3A_503 : memref<1x128x128xf32, #tpu.memory_space<vmem>> -> memref<128x128xf32, #tpu.memory_space<vmem>>
    tpu.enqueue_dma source(%dma_start3A_504 : memref<128x128xf32, #tpu.memory_space<vmem>>) target(%dma_start3A_500 : memref<128x128xf32, #tpu.memory_space<hbm>>) target_semaphore(%arg16 : memref<!tpu.dma_semaphore, #tpu.memory_space<semaphore_mem>>)
    %dma_wait3A_505 = arith.constant 33 : i32
    %dma_wait3A_506 = arith.constant 3 : i32
    %dma_wait3A_507 = arith.constant 0 : i32
    %dma_wait3A_508 = arith.constant 0 : i32
    %dma_wait3A_509 = tpu.memref_slice %arg6[%dma_wait3A_506, %dma_wait3A_507, %dma_wait3A_508] : memref<6x128x128xf32, #tpu.memory_space<vmem>> -> memref<1x128x128xf32, #tpu.memory_space<vmem>>
    %dma_wait3A_510 = tpu.memref_squeeze %dma_wait3A_509 : memref<1x128x128xf32, #tpu.memory_space<vmem>> -> memref<128x128xf32, #tpu.memory_space<vmem>>
    %dma_wait3A_511 = arith.constant 0 : i32
    %dma_wait3A_512 = tpu.memref_slice %arg5[%dma_wait3A_505, %dma_wait3A_511] : memref<36x128xi32, #tpu.memory_space<vmem>> -> memref<1x128xi32, #tpu.memory_space<vmem>>
    %dma_wait3A_513 = tpu.memref_squeeze %dma_wait3A_512 : memref<1x128xi32, #tpu.memory_space<vmem>> -> memref<128xi32, #tpu.memory_space<vmem>>
    %dma_wait3A_514 = arith.constant 0 : i32
    %dma_wait3A_515 = arith.constant 0 : i32
    %dma_wait3A_516 = tpu.memref_slice %arg7[%dma_wait3A_514, %dma_wait3A_515] : memref<96x128xf32, #tpu.memory_space<vmem_shared>> -> memref<96x128xf32, #tpu.memory_space<vmem_shared>>
    tpu.wait_indirect_dma semaphore(%arg11 : memref<!tpu.dma_semaphore, #tpu.memory_space<semaphore_mem>>) src(%dma_wait3A_516 : memref<96x128xf32, #tpu.memory_space<vmem_shared>>) dst(%dma_wait3A_510 : memref<128x128xf32, #tpu.memory_space<vmem>>)
    %add3A_517 = arith.constant 4224 : i32
    %add3A_518 = arith.addi %mul3A_22, %add3A_517 : i32
    %dma_start3A_519 = arith.constant 3 : i32
    %dma_start3A_520 = arith.constant 0 : i32
    %dma_start3A_521 = arith.constant 0 : i32
    %dma_start3A_522 = tpu.memref_slice %arg6[%dma_start3A_519, %dma_start3A_520, %dma_start3A_521] : memref<6x128x128xf32, #tpu.memory_space<vmem>> -> memref<1x128x128xf32, #tpu.memory_space<vmem>>
    %dma_start3A_523 = tpu.memref_squeeze %dma_start3A_522 : memref<1x128x128xf32, #tpu.memory_space<vmem>> -> memref<128x128xf32, #tpu.memory_space<vmem>>
    %dma_start3A_524 = arith.constant 0 : i32
    %dma_start3A_525 = tpu.memref_slice %arg4[%add3A_518, %dma_start3A_524] : memref<147456x128xf32, #tpu.memory_space<hbm>> -> memref<128x128xf32, #tpu.memory_space<hbm>>
    %dma_start3A_526 = arith.constant 0 : i32
    %dma_start3A_527 = tpu.memref_slice %arg4[%add3A_518, %dma_start3A_526] : memref<147456x128xf32, #tpu.memory_space<hbm>> -> memref<128x128xf32, #tpu.memory_space<hbm>>
    %dma_start3A_528 = arith.constant 0 : i32
    %dma_start3A_529 = arith.constant 0 : i32
    %dma_start3A_530 = tpu.memref_slice %arg6[%dma_start3A_519, %dma_start3A_528, %dma_start3A_529] : memref<6x128x128xf32, #tpu.memory_space<vmem>> -> memref<1x128x128xf32, #tpu.memory_space<vmem>>
    %dma_start3A_531 = tpu.memref_squeeze %dma_start3A_530 : memref<1x128x128xf32, #tpu.memory_space<vmem>> -> memref<128x128xf32, #tpu.memory_space<vmem>>
    tpu.enqueue_dma source(%dma_start3A_531 : memref<128x128xf32, #tpu.memory_space<vmem>>) target(%dma_start3A_527 : memref<128x128xf32, #tpu.memory_space<hbm>>) target_semaphore(%arg17 : memref<!tpu.dma_semaphore, #tpu.memory_space<semaphore_mem>>)
    %dma_wait3A_532 = arith.constant 34 : i32
    %dma_wait3A_533 = arith.constant 4 : i32
    %dma_wait3A_534 = arith.constant 0 : i32
    %dma_wait3A_535 = arith.constant 0 : i32
    %dma_wait3A_536 = tpu.memref_slice %arg6[%dma_wait3A_533, %dma_wait3A_534, %dma_wait3A_535] : memref<6x128x128xf32, #tpu.memory_space<vmem>> -> memref<1x128x128xf32, #tpu.memory_space<vmem>>
    %dma_wait3A_537 = tpu.memref_squeeze %dma_wait3A_536 : memref<1x128x128xf32, #tpu.memory_space<vmem>> -> memref<128x128xf32, #tpu.memory_space<vmem>>
    %dma_wait3A_538 = arith.constant 0 : i32
    %dma_wait3A_539 = tpu.memref_slice %arg5[%dma_wait3A_532, %dma_wait3A_538] : memref<36x128xi32, #tpu.memory_space<vmem>> -> memref<1x128xi32, #tpu.memory_space<vmem>>
    %dma_wait3A_540 = tpu.memref_squeeze %dma_wait3A_539 : memref<1x128xi32, #tpu.memory_space<vmem>> -> memref<128xi32, #tpu.memory_space<vmem>>
    %dma_wait3A_541 = arith.constant 0 : i32
    %dma_wait3A_542 = arith.constant 0 : i32
    %dma_wait3A_543 = tpu.memref_slice %arg7[%dma_wait3A_541, %dma_wait3A_542] : memref<96x128xf32, #tpu.memory_space<vmem_shared>> -> memref<96x128xf32, #tpu.memory_space<vmem_shared>>
    tpu.wait_indirect_dma semaphore(%arg12 : memref<!tpu.dma_semaphore, #tpu.memory_space<semaphore_mem>>) src(%dma_wait3A_543 : memref<96x128xf32, #tpu.memory_space<vmem_shared>>) dst(%dma_wait3A_537 : memref<128x128xf32, #tpu.memory_space<vmem>>)
    %add3A_544 = arith.constant 4352 : i32
    %add3A_545 = arith.addi %mul3A_22, %add3A_544 : i32
    %dma_start3A_546 = arith.constant 4 : i32
    %dma_start3A_547 = arith.constant 0 : i32
    %dma_start3A_548 = arith.constant 0 : i32
    %dma_start3A_549 = tpu.memref_slice %arg6[%dma_start3A_546, %dma_start3A_547, %dma_start3A_548] : memref<6x128x128xf32, #tpu.memory_space<vmem>> -> memref<1x128x128xf32, #tpu.memory_space<vmem>>
    %dma_start3A_550 = tpu.memref_squeeze %dma_start3A_549 : memref<1x128x128xf32, #tpu.memory_space<vmem>> -> memref<128x128xf32, #tpu.memory_space<vmem>>
    %dma_start3A_551 = arith.constant 0 : i32
    %dma_start3A_552 = tpu.memref_slice %arg4[%add3A_545, %dma_start3A_551] : memref<147456x128xf32, #tpu.memory_space<hbm>> -> memref<128x128xf32, #tpu.memory_space<hbm>>
    %dma_start3A_553 = arith.constant 0 : i32
    %dma_start3A_554 = tpu.memref_slice %arg4[%add3A_545, %dma_start3A_553] : memref<147456x128xf32, #tpu.memory_space<hbm>> -> memref<128x128xf32, #tpu.memory_space<hbm>>
    %dma_start3A_555 = arith.constant 0 : i32
    %dma_start3A_556 = arith.constant 0 : i32
    %dma_start3A_557 = tpu.memref_slice %arg6[%dma_start3A_546, %dma_start3A_555, %dma_start3A_556] : memref<6x128x128xf32, #tpu.memory_space<vmem>> -> memref<1x128x128xf32, #tpu.memory_space<vmem>>
    %dma_start3A_558 = tpu.memref_squeeze %dma_start3A_557 : memref<1x128x128xf32, #tpu.memory_space<vmem>> -> memref<128x128xf32, #tpu.memory_space<vmem>>
    tpu.enqueue_dma source(%dma_start3A_558 : memref<128x128xf32, #tpu.memory_space<vmem>>) target(%dma_start3A_554 : memref<128x128xf32, #tpu.memory_space<hbm>>) target_semaphore(%arg18 : memref<!tpu.dma_semaphore, #tpu.memory_space<semaphore_mem>>)
    %dma_wait3A_559 = arith.constant 35 : i32
    %dma_wait3A_560 = arith.constant 5 : i32
    %dma_wait3A_561 = arith.constant 0 : i32
    %dma_wait3A_562 = arith.constant 0 : i32
    %dma_wait3A_563 = tpu.memref_slice %arg6[%dma_wait3A_560, %dma_wait3A_561, %dma_wait3A_562] : memref<6x128x128xf32, #tpu.memory_space<vmem>> -> memref<1x128x128xf32, #tpu.memory_space<vmem>>
    %dma_wait3A_564 = tpu.memref_squeeze %dma_wait3A_563 : memref<1x128x128xf32, #tpu.memory_space<vmem>> -> memref<128x128xf32, #tpu.memory_space<vmem>>
    %dma_wait3A_565 = arith.constant 0 : i32
    %dma_wait3A_566 = tpu.memref_slice %arg5[%dma_wait3A_559, %dma_wait3A_565] : memref<36x128xi32, #tpu.memory_space<vmem>> -> memref<1x128xi32, #tpu.memory_space<vmem>>
    %dma_wait3A_567 = tpu.memref_squeeze %dma_wait3A_566 : memref<1x128xi32, #tpu.memory_space<vmem>> -> memref<128xi32, #tpu.memory_space<vmem>>
    %dma_wait3A_568 = arith.constant 0 : i32
    %dma_wait3A_569 = arith.constant 0 : i32
    %dma_wait3A_570 = tpu.memref_slice %arg7[%dma_wait3A_568, %dma_wait3A_569] : memref<96x128xf32, #tpu.memory_space<vmem_shared>> -> memref<96x128xf32, #tpu.memory_space<vmem_shared>>
    tpu.wait_indirect_dma semaphore(%arg13 : memref<!tpu.dma_semaphore, #tpu.memory_space<semaphore_mem>>) src(%dma_wait3A_570 : memref<96x128xf32, #tpu.memory_space<vmem_shared>>) dst(%dma_wait3A_564 : memref<128x128xf32, #tpu.memory_space<vmem>>)
    %add3A_571 = arith.constant 4480 : i32
    %add3A_572 = arith.addi %mul3A_22, %add3A_571 : i32
    %dma_start3A_573 = arith.constant 5 : i32
    %dma_start3A_574 = arith.constant 0 : i32
    %dma_start3A_575 = arith.constant 0 : i32
    %dma_start3A_576 = tpu.memref_slice %arg6[%dma_start3A_573, %dma_start3A_574, %dma_start3A_575] : memref<6x128x128xf32, #tpu.memory_space<vmem>> -> memref<1x128x128xf32, #tpu.memory_space<vmem>>
    %dma_start3A_577 = tpu.memref_squeeze %dma_start3A_576 : memref<1x128x128xf32, #tpu.memory_space<vmem>> -> memref<128x128xf32, #tpu.memory_space<vmem>>
    %dma_start3A_578 = arith.constant 0 : i32
    %dma_start3A_579 = tpu.memref_slice %arg4[%add3A_572, %dma_start3A_578] : memref<147456x128xf32, #tpu.memory_space<hbm>> -> memref<128x128xf32, #tpu.memory_space<hbm>>
    %dma_start3A_580 = arith.constant 0 : i32
    %dma_start3A_581 = tpu.memref_slice %arg4[%add3A_572, %dma_start3A_580] : memref<147456x128xf32, #tpu.memory_space<hbm>> -> memref<128x128xf32, #tpu.memory_space<hbm>>
    %dma_start3A_582 = arith.constant 0 : i32
    %dma_start3A_583 = arith.constant 0 : i32
    %dma_start3A_584 = tpu.memref_slice %arg6[%dma_start3A_573, %dma_start3A_582, %dma_start3A_583] : memref<6x128x128xf32, #tpu.memory_space<vmem>> -> memref<1x128x128xf32, #tpu.memory_space<vmem>>
    %dma_start3A_585 = tpu.memref_squeeze %dma_start3A_584 : memref<1x128x128xf32, #tpu.memory_space<vmem>> -> memref<128x128xf32, #tpu.memory_space<vmem>>
    tpu.enqueue_dma source(%dma_start3A_585 : memref<128x128xf32, #tpu.memory_space<vmem>>) target(%dma_start3A_581 : memref<128x128xf32, #tpu.memory_space<hbm>>) target_semaphore(%arg19 : memref<!tpu.dma_semaphore, #tpu.memory_space<semaphore_mem>>)
    %add3A_586 = arith.constant 3840 : i32
    %add3A_587 = arith.addi %mul3A_22, %add3A_586 : i32
    %dma_wait3A_588 = arith.constant 0 : i32
    %dma_wait3A_589 = arith.constant 0 : i32
    %dma_wait3A_590 = arith.constant 0 : i32
    %dma_wait3A_591 = tpu.memref_slice %arg6[%dma_wait3A_588, %dma_wait3A_589, %dma_wait3A_590] : memref<6x128x128xf32, #tpu.memory_space<vmem>> -> memref<1x128x128xf32, #tpu.memory_space<vmem>>
    %dma_wait3A_592 = tpu.memref_squeeze %dma_wait3A_591 : memref<1x128x128xf32, #tpu.memory_space<vmem>> -> memref<128x128xf32, #tpu.memory_space<vmem>>
    %dma_wait3A_593 = arith.constant 0 : i32
    %dma_wait3A_594 = tpu.memref_slice %arg4[%add3A_587, %dma_wait3A_593] : memref<147456x128xf32, #tpu.memory_space<hbm>> -> memref<128x128xf32, #tpu.memory_space<hbm>>
    %dma_wait3A_595 = arith.constant 0 : i32
    %dma_wait3A_596 = tpu.memref_slice %arg4[%add3A_587, %dma_wait3A_595] : memref<147456x128xf32, #tpu.memory_space<hbm>> -> memref<128x128xf32, #tpu.memory_space<hbm>>
    %dma_wait3A_597 = arith.constant 0 : i32
    %dma_wait3A_598 = arith.constant 0 : i32
    %dma_wait3A_599 = tpu.memref_slice %arg6[%dma_wait3A_588, %dma_wait3A_597, %dma_wait3A_598] : memref<6x128x128xf32, #tpu.memory_space<vmem>> -> memref<1x128x128xf32, #tpu.memory_space<vmem>>
    %dma_wait3A_600 = tpu.memref_squeeze %dma_wait3A_599 : memref<1x128x128xf32, #tpu.memory_space<vmem>> -> memref<128x128xf32, #tpu.memory_space<vmem>>
    tpu.wait_dma2 semaphore(%arg14 : memref<!tpu.dma_semaphore, #tpu.memory_space<semaphore_mem>>) src(%dma_wait3A_600 : memref<128x128xf32, #tpu.memory_space<vmem>>) dst(%dma_wait3A_596 : memref<128x128xf32, #tpu.memory_space<hbm>>)
    %add3A_601 = arith.constant 3968 : i32
    %add3A_602 = arith.addi %mul3A_22, %add3A_601 : i32
    %dma_wait3A_603 = arith.constant 1 : i32
    %dma_wait3A_604 = arith.constant 0 : i32
    %dma_wait3A_605 = arith.constant 0 : i32
    %dma_wait3A_606 = tpu.memref_slice %arg6[%dma_wait3A_603, %dma_wait3A_604, %dma_wait3A_605] : memref<6x128x128xf32, #tpu.memory_space<vmem>> -> memref<1x128x128xf32, #tpu.memory_space<vmem>>
    %dma_wait3A_607 = tpu.memref_squeeze %dma_wait3A_606 : memref<1x128x128xf32, #tpu.memory_space<vmem>> -> memref<128x128xf32, #tpu.memory_space<vmem>>
    %dma_wait3A_608 = arith.constant 0 : i32
    %dma_wait3A_609 = tpu.memref_slice %arg4[%add3A_602, %dma_wait3A_608] : memref<147456x128xf32, #tpu.memory_space<hbm>> -> memref<128x128xf32, #tpu.memory_space<hbm>>
    %dma_wait3A_610 = arith.constant 0 : i32
    %dma_wait3A_611 = tpu.memref_slice %arg4[%add3A_602, %dma_wait3A_610] : memref<147456x128xf32, #tpu.memory_space<hbm>> -> memref<128x128xf32, #tpu.memory_space<hbm>>
    %dma_wait3A_612 = arith.constant 0 : i32
    %dma_wait3A_613 = arith.constant 0 : i32
    %dma_wait3A_614 = tpu.memref_slice %arg6[%dma_wait3A_603, %dma_wait3A_612, %dma_wait3A_613] : memref<6x128x128xf32, #tpu.memory_space<vmem>> -> memref<1x128x128xf32, #tpu.memory_space<vmem>>
    %dma_wait3A_615 = tpu.memref_squeeze %dma_wait3A_614 : memref<1x128x128xf32, #tpu.memory_space<vmem>> -> memref<128x128xf32, #tpu.memory_space<vmem>>
    tpu.wait_dma2 semaphore(%arg15 : memref<!tpu.dma_semaphore, #tpu.memory_space<semaphore_mem>>) src(%dma_wait3A_615 : memref<128x128xf32, #tpu.memory_space<vmem>>) dst(%dma_wait3A_611 : memref<128x128xf32, #tpu.memory_space<hbm>>)
    %add3A_616 = arith.constant 4096 : i32
    %add3A_617 = arith.addi %mul3A_22, %add3A_616 : i32
    %dma_wait3A_618 = arith.constant 2 : i32
    %dma_wait3A_619 = arith.constant 0 : i32
    %dma_wait3A_620 = arith.constant 0 : i32
    %dma_wait3A_621 = tpu.memref_slice %arg6[%dma_wait3A_618, %dma_wait3A_619, %dma_wait3A_620] : memref<6x128x128xf32, #tpu.memory_space<vmem>> -> memref<1x128x128xf32, #tpu.memory_space<vmem>>
    %dma_wait3A_622 = tpu.memref_squeeze %dma_wait3A_621 : memref<1x128x128xf32, #tpu.memory_space<vmem>> -> memref<128x128xf32, #tpu.memory_space<vmem>>
    %dma_wait3A_623 = arith.constant 0 : i32
    %dma_wait3A_624 = tpu.memref_slice %arg4[%add3A_617, %dma_wait3A_623] : memref<147456x128xf32, #tpu.memory_space<hbm>> -> memref<128x128xf32, #tpu.memory_space<hbm>>
    %dma_wait3A_625 = arith.constant 0 : i32
    %dma_wait3A_626 = tpu.memref_slice %arg4[%add3A_617, %dma_wait3A_625] : memref<147456x128xf32, #tpu.memory_space<hbm>> -> memref<128x128xf32, #tpu.memory_space<hbm>>
    %dma_wait3A_627 = arith.constant 0 : i32
    %dma_wait3A_628 = arith.constant 0 : i32
    %dma_wait3A_629 = tpu.memref_slice %arg6[%dma_wait3A_618, %dma_wait3A_627, %dma_wait3A_628] : memref<6x128x128xf32, #tpu.memory_space<vmem>> -> memref<1x128x128xf32, #tpu.memory_space<vmem>>
    %dma_wait3A_630 = tpu.memref_squeeze %dma_wait3A_629 : memref<1x128x128xf32, #tpu.memory_space<vmem>> -> memref<128x128xf32, #tpu.memory_space<vmem>>
    tpu.wait_dma2 semaphore(%arg16 : memref<!tpu.dma_semaphore, #tpu.memory_space<semaphore_mem>>) src(%dma_wait3A_630 : memref<128x128xf32, #tpu.memory_space<vmem>>) dst(%dma_wait3A_626 : memref<128x128xf32, #tpu.memory_space<hbm>>)
    %add3A_631 = arith.constant 4224 : i32
    %add3A_632 = arith.addi %mul3A_22, %add3A_631 : i32
    %dma_wait3A_633 = arith.constant 3 : i32
    %dma_wait3A_634 = arith.constant 0 : i32
    %dma_wait3A_635 = arith.constant 0 : i32
    %dma_wait3A_636 = tpu.memref_slice %arg6[%dma_wait3A_633, %dma_wait3A_634, %dma_wait3A_635] : memref<6x128x128xf32, #tpu.memory_space<vmem>> -> memref<1x128x128xf32, #tpu.memory_space<vmem>>
    %dma_wait3A_637 = tpu.memref_squeeze %dma_wait3A_636 : memref<1x128x128xf32, #tpu.memory_space<vmem>> -> memref<128x128xf32, #tpu.memory_space<vmem>>
    %dma_wait3A_638 = arith.constant 0 : i32
    %dma_wait3A_639 = tpu.memref_slice %arg4[%add3A_632, %dma_wait3A_638] : memref<147456x128xf32, #tpu.memory_space<hbm>> -> memref<128x128xf32, #tpu.memory_space<hbm>>
    %dma_wait3A_640 = arith.constant 0 : i32
    %dma_wait3A_641 = tpu.memref_slice %arg4[%add3A_632, %dma_wait3A_640] : memref<147456x128xf32, #tpu.memory_space<hbm>> -> memref<128x128xf32, #tpu.memory_space<hbm>>
    %dma_wait3A_642 = arith.constant 0 : i32
    %dma_wait3A_643 = arith.constant 0 : i32
    %dma_wait3A_644 = tpu.memref_slice %arg6[%dma_wait3A_633, %dma_wait3A_642, %dma_wait3A_643] : memref<6x128x128xf32, #tpu.memory_space<vmem>> -> memref<1x128x128xf32, #tpu.memory_space<vmem>>
    %dma_wait3A_645 = tpu.memref_squeeze %dma_wait3A_644 : memref<1x128x128xf32, #tpu.memory_space<vmem>> -> memref<128x128xf32, #tpu.memory_space<vmem>>
    tpu.wait_dma2 semaphore(%arg17 : memref<!tpu.dma_semaphore, #tpu.memory_space<semaphore_mem>>) src(%dma_wait3A_645 : memref<128x128xf32, #tpu.memory_space<vmem>>) dst(%dma_wait3A_641 : memref<128x128xf32, #tpu.memory_space<hbm>>)
    %add3A_646 = arith.constant 4352 : i32
    %add3A_647 = arith.addi %mul3A_22, %add3A_646 : i32
    %dma_wait3A_648 = arith.constant 4 : i32
    %dma_wait3A_649 = arith.constant 0 : i32
    %dma_wait3A_650 = arith.constant 0 : i32
    %dma_wait3A_651 = tpu.memref_slice %arg6[%dma_wait3A_648, %dma_wait3A_649, %dma_wait3A_650] : memref<6x128x128xf32, #tpu.memory_space<vmem>> -> memref<1x128x128xf32, #tpu.memory_space<vmem>>
    %dma_wait3A_652 = tpu.memref_squeeze %dma_wait3A_651 : memref<1x128x128xf32, #tpu.memory_space<vmem>> -> memref<128x128xf32, #tpu.memory_space<vmem>>
    %dma_wait3A_653 = arith.constant 0 : i32
    %dma_wait3A_654 = tpu.memref_slice %arg4[%add3A_647, %dma_wait3A_653] : memref<147456x128xf32, #tpu.memory_space<hbm>> -> memref<128x128xf32, #tpu.memory_space<hbm>>
    %dma_wait3A_655 = arith.constant 0 : i32
    %dma_wait3A_656 = tpu.memref_slice %arg4[%add3A_647, %dma_wait3A_655] : memref<147456x128xf32, #tpu.memory_space<hbm>> -> memref<128x128xf32, #tpu.memory_space<hbm>>
    %dma_wait3A_657 = arith.constant 0 : i32
    %dma_wait3A_658 = arith.constant 0 : i32
    %dma_wait3A_659 = tpu.memref_slice %arg6[%dma_wait3A_648, %dma_wait3A_657, %dma_wait3A_658] : memref<6x128x128xf32, #tpu.memory_space<vmem>> -> memref<1x128x128xf32, #tpu.memory_space<vmem>>
    %dma_wait3A_660 = tpu.memref_squeeze %dma_wait3A_659 : memref<1x128x128xf32, #tpu.memory_space<vmem>> -> memref<128x128xf32, #tpu.memory_space<vmem>>
    tpu.wait_dma2 semaphore(%arg18 : memref<!tpu.dma_semaphore, #tpu.memory_space<semaphore_mem>>) src(%dma_wait3A_660 : memref<128x128xf32, #tpu.memory_space<vmem>>) dst(%dma_wait3A_656 : memref<128x128xf32, #tpu.memory_space<hbm>>)
    %add3A_661 = arith.constant 4480 : i32
    %add3A_662 = arith.addi %mul3A_22, %add3A_661 : i32
    %dma_wait3A_663 = arith.constant 5 : i32
    %dma_wait3A_664 = arith.constant 0 : i32
    %dma_wait3A_665 = arith.constant 0 : i32
    %dma_wait3A_666 = tpu.memref_slice %arg6[%dma_wait3A_663, %dma_wait3A_664, %dma_wait3A_665] : memref<6x128x128xf32, #tpu.memory_space<vmem>> -> memref<1x128x128xf32, #tpu.memory_space<vmem>>
    %dma_wait3A_667 = tpu.memref_squeeze %dma_wait3A_666 : memref<1x128x128xf32, #tpu.memory_space<vmem>> -> memref<128x128xf32, #tpu.memory_space<vmem>>
    %dma_wait3A_668 = arith.constant 0 : i32
    %dma_wait3A_669 = tpu.memref_slice %arg4[%add3A_662, %dma_wait3A_668] : memref<147456x128xf32, #tpu.memory_space<hbm>> -> memref<128x128xf32, #tpu.memory_space<hbm>>
    %dma_wait3A_670 = arith.constant 0 : i32
    %dma_wait3A_671 = tpu.memref_slice %arg4[%add3A_662, %dma_wait3A_670] : memref<147456x128xf32, #tpu.memory_space<hbm>> -> memref<128x128xf32, #tpu.memory_space<hbm>>
    %dma_wait3A_672 = arith.constant 0 : i32
    %dma_wait3A_673 = arith.constant 0 : i32
    %dma_wait3A_674 = tpu.memref_slice %arg6[%dma_wait3A_663, %dma_wait3A_672, %dma_wait3A_673] : memref<6x128x128xf32, #tpu.memory_space<vmem>> -> memref<1x128x128xf32, #tpu.memory_space<vmem>>
    %dma_wait3A_675 = tpu.memref_squeeze %dma_wait3A_674 : memref<1x128x128xf32, #tpu.memory_space<vmem>> -> memref<128x128xf32, #tpu.memory_space<vmem>>
    tpu.wait_dma2 semaphore(%arg19 : memref<!tpu.dma_semaphore, #tpu.memory_space<semaphore_mem>>) src(%dma_wait3A_675 : memref<128x128xf32, #tpu.memory_space<vmem>>) dst(%dma_wait3A_671 : memref<128x128xf32, #tpu.memory_space<hbm>>)
    return
  }
}

</mosaic_0001>

<sc_bundles>
// kernel: kernel.3.cloned.1.call-start
scs
__scs_entry_jumppad:
0x0: {  	(pc) =	sbr.rel $0x88, $3  }
0x1: {  	(tag) =	ssettag $0x0;
	lr =	simm.s32 $0x1  }
0x2: {  	[smem:$0x3F9F] =	sst lr;
	_ =	strace $0xD0000000  }
0x3: {  	_ = 	snop  }
0x4: {  	_ = 	snop  }
0x5: {  	_ = 	snop  }
0x6: {  	_ = 	snop  }
0x7: {  	_ = 	snop  }
__scs_overlays_trampoline_lowered:
0x8: {  	[smem:$0x3FAE] =	sst s0  }
0x9: {  	[smem:$0x3FAF] =	sst s1  }
0xa: {  	[smem:$0x3FB0] =	sst s2  }
0xb: {  	[smem:$0x3FB1] =	sst s3  }
0xc: {  	[smem:$0x3FB2] =	sst s4  }
0xd: {  	[smem:$0x3FB3] =	sst s5  }
0xe: {  	[smem:$0x3FB4] =	sst s6  }
0xf: {  	[smem:$0x3FB5] =	sst s7  }
0x10: {  	[smem:$0x3FB6] =	sst s8  }
0x11: {  	[smem:$0x3FB7] =	sst s9;
	s0 =	simm.s32 @!p0 $0x0  }
0x12: {  	s1 =	sld [smem:$0x3F9D];
	s0 =	simm.s32 @p0 $0x1  }
0x13: {  	[smem:$0x3FB8] =	sst s0;
	s0 =	simm.s32 @!p1 $0x0  }
0x14: {  	s2 =	sld [smem:$0x3F9C];
	s0 =	simm.s32 @p1 $0x1  }
0x15: {  	[smem:$0x3FB9] =	sst s0;
	s0 =	simm.s32 @!p2 $0x0  }
0x16: {  	s3 =	sld [smem:$0x3FDB];
	s0 =	simm.s32 @p2 $0x1  }
0x17: {  	s4 =	simm.s32 $0x1BF5;
	[smem:$0x3FBB] =	sst s0  }
0x18: {  	s0 =	sld [smem:$0x3F9E];
	_ =	swait.ge [sflag:s4], $0x0  }
0x19: {  	s7 =	sld [smem:$0x3F9F]  }
0x1a: {  	s8 =	sadd.s32 $0xFFFFE003, lr  }
0x1b: {  	s9 =	sadd.s32 $0xFFFFFEF7, lr;
	s5 =	simm.s32 $0xFFFFFFFF;
	p2 =	slt.u32 s8, $0xFFFFF086  }
0x1c: {  	p1 =	slt.u32 s9, $0xF7A;
	s5 =	simm.s32 @!p2 $0x0  }
0x1d: {  	s5 =	simm.s32 @p1 $0x1;
	p0 =	seq.s32 s7, s2  }
0x1e: {  	s7 =	smul.u32 @!p0 $0xF7A, s2;
	p2 =	seq.s32 @!p0 s5, $0x0  }
0x1f: {  	s9 =	smul.u32 $0xF7A, s1;
	s8 =	simm.s32 @!p0 $0x1BF5;
	p2 =	por !p2, p0  }
0x20: {  	[sflag:s8] =	ssyncset.s32 @!p0 $0xFFFFF086;
	s6 =	sadd.s32 @!p0 s3, s7;
	s7 =	simm.s32 @!p0 $0x108  }
0x21: {  	s3 =	sadd.s32 s3, s9;
	s6 =	sadd.s32 @!p0 $0x88, s6;
	s7 =	simm.s32 @p2 $0x1082  }
0x22: {  	[simem:s7], [sflag:s8] =	dma.local @!p0 [hbm:s6], $0xF7A  }
0x23: {  	s9 =	sor.u32 $0xD0000000, s2;
	s6 =	simm.s32 $0x108;
	_ =	swait.ge @!p0 [sflag:s8], $0x0  }
0x24: {  	s3 =	sadd.s32 $0x88, s3;
	s6 =	simm.s32 @!p1 $0x1082;
	[sflag:s4] =	ssyncset.s32 $0xFFFFF086  }
0x25: {  	[simem:s6], [sflag:s4] =	dma.local [hbm:s3], $0xF7A  }
0x26: {  	[smem:$0x3F9F] =	sst s1;
	(tag) =	ssettag s2;
	_ =	strace s9  }
0x27: {  	s1 =	sld [smem:$0x3FAF]  }
0x28: {  	s2 =	sld [smem:$0x3FB0]  }
0x29: {  	s4 =	sld [smem:$0x3FB2]  }
0x2a: {  	p0 =	seq.s32 s5, $0x0;
	s5 =	sld [smem:$0x3FB3]  }
0x2b: {  	s6 =	sld [smem:$0x3FB4]  }
0x2c: {  	s7 =	sld [smem:$0x3FB5]  }
0x2d: {  	s3 =	simm.s32 $0x108;
	s8 =	sld [smem:$0x3FB6]  }
0x2e: {  	s3 =	simm.s32 @!p0 $0x1082;
	s9 =	sld [smem:$0x3FB7]  }
0x2f: {  	lr =	sadd.s32 s0, s3;
	s0 =	sld [smem:$0x3FAE]  }
0x30: {  	s3 =	sld [smem:$0x3FB1]  }
0x31: {  	[smem:$0x3FBA] =	sst s10  }
0x32: {  	s10 =	sld [smem:$0x3FB8];
	_ =	sdelay $0x3  }
0x33: {  	p0 =	seq.s32 s10, $0x1;
	s10 =	sld [smem:$0x3FBA];
	_ =	sdelay $0x3  }
0x34: {  	[smem:$0x3FBA] =	sst s10  }
0x35: {  	s10 =	sld [smem:$0x3FB9];
	_ =	sdelay $0x3  }
0x36: {  	p1 =	seq.s32 s10, $0x1;
	s10 =	sld [smem:$0x3FBA];
	_ =	sdelay $0x3  }
0x37: {  	[smem:$0x3FBA] =	sst s10  }
0x38: {  	s10 =	sld [smem:$0x3FBB]  }
0x39: {  	_ = 	snop;
	(pc) =	sbr.ind lr, $3  }
0x3a: {  	_ = 	snop  }
0x3b: {  	_ = 	snop  }
0x3c: {  	p2 =	seq.s32 s10, $0x1;
	s10 =	sld [smem:$0x3FBA]  }
0x3d: {  	_ =	shalt  }
0x3e: {  	_ =	shalt  }
0x3f: {  	_ =	shalt  }
0x40: {  	_ =	shalt  }
0x41: {  	_ =	shalt  }
0x42: {  	_ =	shalt  }
0x43: {  	_ =	shalt  }
0x44: {  	_ =	shalt  }
0x45: {  	_ =	shalt  }
0x46: {  	_ =	shalt  }
0x47: {  	_ =	shalt  }
0x48: {  	_ =	shalt  }
0x49: {  	_ =	shalt  }
0x4a: {  	_ =	shalt  }
0x4b: {  	_ =	shalt  }
0x4c: {  	_ =	shalt  }
0x4d: {  	_ =	shalt  }
0x4e: {  	_ =	shalt  }
0x4f: {  	_ =	shalt  }
0x50: {  	_ =	shalt  }
0x51: {  	_ =	shalt  }
0x52: {  	_ =	shalt  }
0x53: {  	_ =	shalt  }
0x54: {  	_ =	shalt  }
0x55: {  	_ =	shalt  }
0x56: {  	_ =	shalt  }
0x57: {  	_ =	shalt  }
0x58: {  	_ =	shalt  }
0x59: {  	_ =	shalt  }
0x5a: {  	_ =	shalt  }
0x5b: {  	_ =	shalt  }
0x5c: {  	_ =	shalt  }
0x5d: {  	_ =	shalt  }
0x5e: {  	_ =	shalt  }
0x5f: {  	_ =	shalt  }
0x60: {  	_ =	shalt  }
0x61: {  	_ =	shalt  }
0x62: {  	_ =	shalt  }
0x63: {  	_ =	shalt  }
0x64: {  	_ =	shalt  }
0x65: {  	_ =	shalt  }
0x66: {  	_ =	shalt  }
0x67: {  	_ =	shalt  }
0x68: {  	_ =	shalt  }
0x69: {  	_ =	shalt  }
0x6a: {  	_ =	shalt  }
0x6b: {  	_ =	shalt  }
0x6c: {  	_ =	shalt  }
0x6d: {  	_ =	shalt  }
0x6e: {  	_ =	shalt  }
0x6f: {  	_ =	shalt  }
0x70: {  	_ =	shalt  }
0x71: {  	_ =	shalt  }
0x72: {  	_ =	shalt  }
0x73: {  	_ =	shalt  }
0x74: {  	_ =	shalt  }
0x75: {  	_ =	shalt  }
0x76: {  	_ =	shalt  }
0x77: {  	_ =	shalt  }
0x78: {  	_ =	shalt  }
0x79: {  	_ =	shalt  }
0x7a: {  	_ =	shalt  }
0x7b: {  	_ =	shalt  }
0x7c: {  	_ =	shalt  }
0x7d: {  	_ =	shalt  }
0x7e: {  	_ =	shalt  }
0x7f: {  	_ =	shalt  }
0x80: {  	_ =	shalt  }
0x81: {  	_ =	shalt  }
0x82: {  	_ =	shalt  }
0x83: {  	_ =	shalt  }
0x84: {  	_ =	shalt  }
0x85: {  	_ =	shalt  }
0x86: {  	_ =	shalt  }
0x87: {  	_ =	shalt  }
.Lfunc_end0:
.L_simem_size_0:
called_computation_lowered:
.L_overlay_start_0:
0x88: {  	s2 =	sld [smem:$0x3FD9]  }
0x89: {  	s3 =	sld [smem:$0x3FFE];
	_ =	sdelay $0x1  }
0x8a: {  	s1 =	srdreg.scid  }
0x8b: {  	s0 =	sand.u32 $0x1, s1  }
0x8c: {  	s17 =	sshll.u32 s0, $0xA;
	s2 =	sadd.s32 s3, s2  }
0x8d: {  	s2 =	sadd.s32 s2, s17  }
0x8e: {  	[smem:$0x3FC6] =	sst s2  }
0x8f: {  	_ = 	snop  }
0x90: {  	s2 =	sld [smem:$0x3FC8]  }
0x91: {  	s18 =	sld [smem:$0x3FD0];
	(tm) =	ssettm $0x1  }
0x92: {  	s4 =	sld [smem:$0x3FFB];
	_ =	sdelay $0x3  }
0x93: {  	_ =	strace s4  }
0x94: {  	s4 =	sld [smem:$0x3FFC];
	_ =	sdelay $0x3  }
0x95: {  	_ =	strace s4  }
0x96: {  	s4 =	sld [smem:$0x3FFD];
	_ =	sdelay $0x3  }
0x97: {  	_ =	strace s4  }
0x98: {  	_ =	strace $0x8FFFFFFF  }
0x99: {  	s19 =	sld [smem:$0x3FDB];
	_ =	sdelay $0x1  }
0x9a: {  	s5 =	simm.s32 $_scs_section_size  }
0x9b: {  	s6 =	simm.s32 $_size__tile_overlayer_lowered;
	s7 =	simm.s32 $_tile_overlayer_lowered  }
0x9c: {  	s22 =	simm.s32 $0x1BFF;
	s21 =	sshll.u32 s7, $0x1;
	s4 =	sadd.s32 s5, s19  }
0x9d: {  	s8 =	simm.s32 $0x0;
	s20 =	sshll.u32 s6, $0x1;
	s6 =	sadd.s32 s21, s4  }
0x9e: {  	[timem:s8], [sflag:s22] =	dma.local [hbm:s6], s20  }
0x9f: {  	_ =	swait.ge [sflag:s22], s20  }
0xa0: {  	s5 =	ssub.s32 $0x0, s20;
	[sflag:s22] =	ssyncset.done $0x0  }
0xa1: {  	[sflag:s22] =	ssyncadd.s32 s5;
	_ =	sdelay $0x1  }
0xa2: {  	s23 =	simm.s32 $0x1B8B  }
0xa3: {  	_ =	swait.ge [sflag:s23], $0x1  }
0xa4: {  	[sflag:s23] =	ssyncset.done $0x0  }
0xa5: {  	s25 =	simm.s32 $0x1B8E;
	s24 =	sld [smem:$0x3FFE];
	[sflag:s23] =	ssyncadd.s32 $0xFFFFFFFF  }
0xa6: {  	s26 =	simm.s32 $execute0_lowered;
	[smem:$0x3FD2] =	sst s25  }
0xa7: {  	s6 =	sshll.u32 s26, $0x1;
	_ =	strace $0x80000046;
	[dreg:$0x1] =	wrdreg $0xFFFFFFFF  }
0xa8: {  	s28 =	simm.s32 $_size_execute0_lowered;
	s4 =	sadd.s32 s4, s6;
	[dreg:$0x0] =	wrdreg $0x0  }
0xa9: {  	s6 =	sshll.u32 s28, $0x1;
	[dreg:$0x2] =	wrdreg s4  }
0xaa: {  	[dreg:$0x3] =	wrdreg s6  }
0xab: {  	[dreg:$0x4] =	wrdreg $0xC0  }
0xac: {  	_ =	task [dreg:s8], $0x5FFFF  }
0xad: {  	[dreg:$0x1] =	wrdreg $0xFFFFFFFF  }
0xae: {  	[dreg:$0x0] =	wrdreg $0x60  }
0xaf: {  	[dreg:$0x2] =	wrdreg s2  }
0xb0: {  	[dreg:$0x3] =	wrdreg s24  }
0xb1: {  	[dreg:$0x4] =	wrdreg s18  }
0xb2: {  	[dreg:$0x5] =	wrdreg $0x194000  }
0xb3: {  	[dreg:$0x6] =	wrdreg $0x9  }
0xb4: {  	_ =	task.clear_ibuf [dreg:s8], $0x7FFFF;
	_ =	strace $0x90000046  }
0xb5: {  	s29 =	simm.s32 $0x9;
	_ =	strace $0x80000048  }
0xb6: {  	_ =	swait.ge [sflag:s29], $0x1  }
0xb7: {  	[sflag:s29] =	ssyncadd.s32 $0xFFFFFFFF  }
0xb8: {  	_ =	strace $0x90000048  }
0xb9: {  	_ =	sfence  }
0xba: {  	s30 =	sld [smem:$0x0];
	_ =	sdelay $0x2  }
0xbb: {  	s31 =	sshll.u32 s1, $0xD;
	s1 =	sshrl.u32 s1, $0x2  }
0xbc: {  	s3 =	sand.u32 $0x4000, s31;
	s1 =	sadd.s32 s1, s30  }
0xbd: {  	s0 =	sor.u32 s3, s0;
	s1 =	sshll.u32 s1, $0x11  }
0xbe: {  	s0 =	sor.u32 s1, s0  }
0xbf: {  	s0 =	sadd.s32 $0x8F2B, s0  }
0xc0: {  	[sflag:s0] =	ssyncadd.remote.s32 $0x1  }
0xc1: {  	_ =	sfence.sel $0xFFFF  }
0xc2: {  	[dreg:$0x0] =	wrdreg $0xFFFFFFFF;
	(pc) =	sbr.abs _section_cstart, $3  }
0xc3: {  	[dreg:$0x1] =	wrdreg $0xFFFFFFFF  }
0xc4: {  	_ =	task.clear_ibuf [dreg:s8], $0x2FFFF;
	_ =	strace $0x9FFFFFFF  }
0xc5: {  	(tm) =	ssettm $0x7FFFFFFF  }
tec
execute0_lowered:
.L_overlay_start_1:
0x0: {  	(tag) =	ssettag $0x1  }
0x1: {  	s0 =	rddreg [dreg:$0x1]  }
0x2: {  	s1 =	rddreg [dreg:$0x2];
	s2 =	srdreg.scid  }
0x3: {  	s10 =	stileid.u32;
	s3 =	rddreg [dreg:$0x3]  }
0x4: {  	s4 =	simm.s32 $0x0;
	s29 =	simm.s32 $0x9400;
	s31 =	simm.s32 $0xD400  }
0x5: {  	s28 =	simm.s32 $0x2;
	s30 =	simm.s32 $0x3;
	s9 =	smul.u32 $0xC00, s10  }
0x6: {  	s2 =	sand.u32 $0x1, s2;
	s5 =	sshll.u32 s10, $0x1;
	s20 =	smul.u32 $0x24000, s10  }
0x7: {  	s5 =	sor.u32 s2, s5;
	s7 =	ssub.s32 $0x2, s2;
	s2 =	smul.u32 $0x12000, s2  }
0x8: {  	[smem:$0x7FF] =	sst s4;
	s13 =	sshll.u32 s10, $0x6;
	s6 =	smul.u32 $0x280, s5  }
0x9: {  	s10 =	simm.s32 $0xA;
	_ =	strace $0x80000047;
	s11 =	smul.u32 $0x12000, s5  }
0xa: {  	s8 =	sshrl.u32 s7, $0x1;
	s12 =	sshrl.u32 s9, $0x2;
	s5 =	smul.u32 $0x90000, s5  }
0xb: {  	s9 =	sor.u32 $0x1C07, s13;
	s13 =	simm.s32 $0x0;
	s0 =	sadd.s32 s6, s0  }
0xc: {  	[dreg:$0x5] =	wrdreg s9;
	s6 =	sadd.s32 s1, s11;
	s0 =	sadd.s32 $0x400, s0  }
0xd: {  	s7 =	ssub.s32 s7, s8;
	s14 =	sadd.s32 $0x800, s6;
	[dreg:$0x6] =	wrdreg s0  }
0xe: {  	s15 =	sshrl.u32 s5, $0x3;
	s16 =	sadd.s32 $0x1000, s6;
	[dreg:$0x7] =	wrdreg s14  }
0xf: {  	s17 =	sadd.s32 $0x1800, s6;
	[dreg:$0x8] =	wrdreg s16;
	s0 =	sadd.s32 s1, s15  }
0x10: {  	s8 =	sadd.s32 s12, s3;
	[dreg:$0x9] =	wrdreg s17;
	s18 =	sadd.s32 $0x2000, s0  }
0x11: {  	s9 =	simm.s32 $0x6;
	s19 =	sadd.s32 $0x2800, s0;
	[dreg:$0xa] =	wrdreg s18  }
0x12: {  	s12 =	simm.s32 $0xC;
	s21 =	sadd.s32 $0xF000, s0;
	[dreg:$0xb] =	wrdreg s19  }
0x13: {  	s5 =	simm.s32 $0x4;
	s22 =	sadd.s32 $0xF800, s0;
	[dreg:$0xc] =	wrdreg s21  }
0x14: {  	s11 =	simm.s32 $0xB;
	s23 =	sadd.s32 $0x10000, s0;
	[dreg:$0xd] =	wrdreg s22  }
0x15: {  	s1 =	sadd.s32 s20, s1;
	s24 =	sadd.s32 $0x10800, s0;
	[dreg:$0xe] =	wrdreg s23  }
0x16: {  	s25 =	sadd.s32 $0x11000, s0;
	s26 =	sadd.s32 s2, s1;
	[dreg:$0xf] =	wrdreg s24  }
0x17: {  	s2 =	simm.s32 $0x1;
	s1 =	simm.s32 $0x11400;
	[dreg:$0x10] =	wrdreg s25  }
0x18: {  	s18 =	sadd.s32 $0x11800, s0;
	s19 =	smax.u32 s7, $0x1;
	s20 =	sadd.s32 $0x5800, s26  }
0x19: {  	s21 =	sshrl.u32 s8, $0x3;
	s22 =	simm.s32 $0x7;
	s23 =	simm.s32 $0x8  }
0x1a: {  	s24 =	simm.s32 $0x80;
	s25 =	simm.s32 $0x1400;
	s26 =	simm.s32 $0x5400  }
0x1b: {  	s0 =	simm.s32 $0x15400;
	s7 =	simm.s32 $0x5;
	s8 =	simm.s32 $0x9  }
.LBB2_1:
0x1c: {  	s14 =	rddreg [dreg:$0x0]  }
0x1d: {  	s15 =	rddreg [dreg:$0x5]  }
0x1e: {  	[spmem:s21], [sflag:s15] =	dma.local [hbm:s14], $0x60  }
0x1f: {  	s14 =	rddreg [dreg:$0x6]  }
0x20: {  	[tilespmem:s4], [sflag:$0x8] =	stream.linear.gather [hbm4b:s14+s4], $0x1200, $0x38;
	[tilespmem:$0x19700] =	vst v63  }
0x21: {  	_ =	swait.ge [sflag:s22], $0x60  }
0x22: {  	[sflag:s22] =	ssyncset.done $0x0  }
0x23: {  	[sflag:s22] =	ssyncadd.s32 $0xFFFFFFA0  }
0x24: {  	_ =	swait.ge [sflag:s23], $0x1200  }
0x25: {  	[sflag:s23] =	ssyncset.done $0x0  }
0x26: {  	[sflag:s23] =	ssyncadd.s32 $0xFFFFEE00  }
0x27: {  	[tilespmem:s25], [sflag:$0x1] =	stream.indirect.gather [spmem:s3], $0x80, s4, s24, $0xb8;
	[tilespmem:$0x19700] =	vst v63  }
0x28: {  	_ = 	snop  }
0x29: {  	[tilespmem:s26], [sflag:$0x2] =	stream.indirect.gather [spmem:s3], $0x80, s24, s24, $0xb8;
	[tilespmem:$0x19700] =	vst v63  }
0x2a: {  	s16 =	simm.s32 $0x100  }
0x2b: {  	[tilespmem:s29], [sflag:$0x3] =	stream.indirect.gather [spmem:s3], $0x80, s16, s24, $0xb8;
	[tilespmem:$0x19700] =	vst v63  }
0x2c: {  	s17 =	simm.s32 $0x180  }
0x2d: {  	[tilespmem:s31], [sflag:$0x4] =	stream.indirect.gather [spmem:s3], $0x80, s17, s24, $0xb8;
	[tilespmem:$0x19700] =	vst v63  }
0x2e: {  	_ =	swait.ge [sflag:s2], $0x4000  }
0x2f: {  	[sflag:s2] =	ssyncset.done $0x0  }
0x30: {  	[sflag:s2] =	ssyncadd.s32 $0xFFFFC000  }
0x31: {  	[hbm4b:s6+s4] =	stream.linear.scatter [tilespmem:s25], [sflag:$0x7], $0x4000, $0x38;
	[tilespmem:$0x19700] =	vst v63  }
0x32: {  	s15 =	simm.s32 $0x200  }
0x33: {  	[tilespmem:s1], [sflag:$0x5] =	stream.indirect.gather [spmem:s3], $0x80, s15, s24, $0xb8;
	[tilespmem:$0x19700] =	vst v63  }
0x34: {  	_ =	swait.ge [sflag:s28], $0x4000  }
0x35: {  	[sflag:s28] =	ssyncset.done $0x0  }
0x36: {  	s16 =	rddreg [dreg:$0x7];
	[sflag:s28] =	ssyncadd.s32 $0xFFFFC000  }
0x37: {  	[hbm4b:s16+s4] =	stream.linear.scatter [tilespmem:s26], [sflag:$0x8], $0x4000, $0x38;
	[tilespmem:$0x19700] =	vst v63  }
0x38: {  	s17 =	simm.s32 $0x280  }
0x39: {  	[tilespmem:s0], [sflag:$0x6] =	stream.indirect.gather [spmem:s3], $0x80, s17, s24, $0xb8;
	[tilespmem:$0x19700] =	vst v63  }
0x3a: {  	_ =	swait.ge [sflag:s30], $0x4000  }
0x3b: {  	[sflag:s30] =	ssyncset.done $0x0  }
0x3c: {  	s15 =	rddreg [dreg:$0x8];
	[sflag:s30] =	ssyncadd.s32 $0xFFFFC000  }
0x3d: {  	[hbm4b:s15+s4] =	stream.linear.scatter [tilespmem:s29], [sflag:$0x9], $0x4000, $0x38;
	[tilespmem:$0x19700] =	vst v63  }
0x3e: {  	_ =	swait.ge [sflag:s22], $0x4000  }
0x3f: {  	[sflag:s22] =	ssyncset.done $0x0  }
0x40: {  	s16 =	simm.s32 $0x300;
	[sflag:s22] =	ssyncadd.s32 $0xFFFFC000  }
0x41: {  	[tilespmem:s25], [sflag:$0x1] =	stream.indirect.gather [spmem:s3], $0x80, s16, s24, $0xb8;
	[tilespmem:$0x19700] =	vst v63  }
0x42: {  	_ =	swait.ge [sflag:s5], $0x4000  }
0x43: {  	[sflag:s5] =	ssyncset.done $0x0  }
0x44: {  	s17 =	rddreg [dreg:$0x9];
	[sflag:s5] =	ssyncadd.s32 $0xFFFFC000  }
0x45: {  	[hbm4b:s17+s4] =	stream.linear.scatter [tilespmem:s31], [sflag:$0xA], $0x4000, $0x38;
	[tilespmem:$0x19700] =	vst v63  }
0x46: {  	_ =	swait.ge [sflag:s23], $0x4000  }
0x47: {  	[sflag:s23] =	ssyncset.done $0x0  }
0x48: {  	s15 =	simm.s32 $0x380;
	[sflag:s23] =	ssyncadd.s32 $0xFFFFC000  }
0x49: {  	[tilespmem:s26], [sflag:$0x2] =	stream.indirect.gather [spmem:s3], $0x80, s15, s24, $0xb8;
	[tilespmem:$0x19700] =	vst v63  }
0x4a: {  	_ =	swait.ge [sflag:s7], $0x4000  }
0x4b: {  	[sflag:s7] =	ssyncset.done $0x0  }
0x4c: {  	s16 =	rddreg [dreg:$0xa];
	[sflag:s7] =	ssyncadd.s32 $0xFFFFC000  }
0x4d: {  	[hbm4b:s16+s4] =	stream.linear.scatter [tilespmem:s1], [sflag:$0xB], $0x4000, $0x38;
	[tilespmem:$0x19700] =	vst v63  }
0x4e: {  	_ =	swait.ge [sflag:s8], $0x4000  }
0x4f: {  	[sflag:s8] =	ssyncset.done $0x0  }
0x50: {  	s17 =	simm.s32 $0x400;
	[sflag:s8] =	ssyncadd.s32 $0xFFFFC000  }
0x51: {  	[tilespmem:s29], [sflag:$0x3] =	stream.indirect.gather [spmem:s3], $0x80, s17, s24, $0xb8;
	[tilespmem:$0x19700] =	vst v63  }
0x52: {  	_ =	swait.ge [sflag:s9], $0x4000  }
0x53: {  	[sflag:s9] =	ssyncset.done $0x0  }
0x54: {  	s15 =	rddreg [dreg:$0xb];
	[sflag:s9] =	ssyncadd.s32 $0xFFFFC000  }
0x55: {  	[hbm4b:s15+s4] =	stream.linear.scatter [tilespmem:s0], [sflag:$0xC], $0x4000, $0x38;
	[tilespmem:$0x19700] =	vst v63  }
0x56: {  	_ =	swait.ge [sflag:s10], $0x4000  }
0x57: {  	[sflag:s10] =	ssyncset.done $0x0  }
0x58: {  	s16 =	simm.s32 $0x480;
	[sflag:s10] =	ssyncadd.s32 $0xFFFFC000  }
0x59: {  	[tilespmem:s31], [sflag:$0x4] =	stream.indirect.gather [spmem:s3], $0x80, s16, s24, $0xb8;
	[tilespmem:$0x19700] =	vst v63  }
0x5a: {  	_ =	swait.ge [sflag:s2], $0x4000  }
0x5b: {  	[sflag:s2] =	ssyncset.done $0x0  }
0x5c: {  	s17 =	sadd.s32 $0xFFFFD800, s20;
	[sflag:s2] =	ssyncadd.s32 $0xFFFFC000  }
0x5d: {  	[hbm4b:s17+s4] =	stream.linear.scatter [tilespmem:s25], [sflag:$0x7], $0x4000, $0x38;
	[tilespmem:$0x19700] =	vst v63  }
0x5e: {  	_ =	swait.ge [sflag:s11], $0x4000  }
0x5f: {  	[sflag:s11] =	ssyncset.done $0x0  }
0x60: {  	s15 =	simm.s32 $0x500;
	[sflag:s11] =	ssyncadd.s32 $0xFFFFC000  }
0x61: {  	[tilespmem:s1], [sflag:$0x5] =	stream.indirect.gather [spmem:s3], $0x80, s15, s24, $0xb8;
	[tilespmem:$0x19700] =	vst v63  }
0x62: {  	_ =	swait.ge [sflag:s28], $0x4000  }
0x63: {  	[sflag:s28] =	ssyncset.done $0x0  }
0x64: {  	s16 =	sadd.s32 $0xFFFFE000, s20;
	[sflag:s28] =	ssyncadd.s32 $0xFFFFC000  }
0x65: {  	[hbm4b:s16+s4] =	stream.linear.scatter [tilespmem:s26], [sflag:$0x8], $0x4000, $0x38;
	[tilespmem:$0x19700] =	vst v63  }
0x66: {  	_ =	swait.ge [sflag:s12], $0x4000  }
0x67: {  	[sflag:s12] =	ssyncset.done $0x0  }
0x68: {  	s17 =	simm.s32 $0x580;
	[sflag:s12] =	ssyncadd.s32 $0xFFFFC000  }
0x69: {  	[tilespmem:s0], [sflag:$0x6] =	stream.indirect.gather [spmem:s3], $0x80, s17, s24, $0xb8;
	[tilespmem:$0x19700] =	vst v63  }
0x6a: {  	_ =	swait.ge [sflag:s30], $0x4000  }
0x6b: {  	[sflag:s30] =	ssyncset.done $0x0  }
0x6c: {  	s15 =	sadd.s32 $0xFFFFE800, s20;
	[sflag:s30] =	ssyncadd.s32 $0xFFFFC000  }
0x6d: {  	[hbm4b:s15+s4] =	stream.linear.scatter [tilespmem:s29], [sflag:$0x9], $0x4000, $0x38;
	[tilespmem:$0x19700] =	vst v63  }
0x6e: {  	_ =	swait.ge [sflag:s22], $0x4000  }
0x6f: {  	[sflag:s22] =	ssyncset.done $0x0  }
0x70: {  	s16 =	simm.s32 $0x600;
	[sflag:s22] =	ssyncadd.s32 $0xFFFFC000  }
0x71: {  	[tilespmem:s25], [sflag:$0x1] =	stream.indirect.gather [spmem:s3], $0x80, s16, s24, $0xb8;
	[tilespmem:$0x19700] =	vst v63  }
0x72: {  	_ =	swait.ge [sflag:s5], $0x4000  }
0x73: {  	[sflag:s5] =	ssyncset.done $0x0  }
0x74: {  	s17 =	sadd.s32 $0xFFFFF000, s20;
	[sflag:s5] =	ssyncadd.s32 $0xFFFFC000  }
0x75: {  	[hbm4b:s17+s4] =	stream.linear.scatter [tilespmem:s31], [sflag:$0xA], $0x4000, $0x38;
	[tilespmem:$0x19700] =	vst v63  }
0x76: {  	_ =	swait.ge [sflag:s23], $0x4000  }
0x77: {  	[sflag:s23] =	ssyncset.done $0x0  }
0x78: {  	s15 =	simm.s32 $0x680;
	[sflag:s23] =	ssyncadd.s32 $0xFFFFC000  }
0x79: {  	[tilespmem:s26], [sflag:$0x2] =	stream.indirect.gather [spmem:s3], $0x80, s15, s24, $0xb8;
	[tilespmem:$0x19700] =	vst v63  }
0x7a: {  	_ =	swait.ge [sflag:s7], $0x4000  }
0x7b: {  	[sflag:s7] =	ssyncset.done $0x0  }
0x7c: {  	s16 =	sadd.s32 $0xFFFFF800, s20;
	[sflag:s7] =	ssyncadd.s32 $0xFFFFC000  }
0x7d: {  	[hbm4b:s16+s4] =	stream.linear.scatter [tilespmem:s1], [sflag:$0xB], $0x4000, $0x38;
	[tilespmem:$0x19700] =	vst v63  }
0x7e: {  	_ =	swait.ge [sflag:s8], $0x4000  }
0x7f: {  	[sflag:s8] =	ssyncset.done $0x0  }
0x80: {  	s17 =	simm.s32 $0x700;
	[sflag:s8] =	ssyncadd.s32 $0xFFFFC000  }
0x81: {  	[tilespmem:s29], [sflag:$0x3] =	stream.indirect.gather [spmem:s3], $0x80, s17, s24, $0xb8;
	[tilespmem:$0x19700] =	vst v63  }
0x82: {  	_ =	swait.ge [sflag:s9], $0x4000  }
0x83: {  	[sflag:s9] =	ssyncset.done $0x0  }
0x84: {  	[sflag:s9] =	ssyncadd.s32 $0xFFFFC000  }
0x85: {  	[hbm4b:s20+s4] =	stream.linear.scatter [tilespmem:s0], [sflag:$0xC], $0x4000, $0x38;
	[tilespmem:$0x19700] =	vst v63  }
0x86: {  	_ =	swait.ge [sflag:s10], $0x4000  }
0x87: {  	s14 =	simm.s32 $0xC00;
	[sflag:s10] =	ssyncset.done $0x0  }
0x88: {  	s15 =	sadd.s32 $0x3000, s20;
	s16 =	simm.s32 $0x780;
	[sflag:s10] =	ssyncadd.s32 $0xFFFFC000  }
.LBB2_2:
0x89: {  	[tilespmem:s31], [sflag:$0x4] =	stream.indirect.gather [spmem:s3], $0x80, s16, s24, $0xb8;
	[tilespmem:$0x19700] =	vst v63  }
0x8a: {  	s16 =	smov.u32 s14  }
0x8b: {  	p0 =	sne.s32 s14, $0x2400;
	s14 =	sadd.s32 $0xC00, s14;
	_ =	swait.ge [sflag:s2], $0x4000  }
0x8c: {  	[sflag:s2] =	ssyncset.done $0x0  }
0x8d: {  	s17 =	sadd.s32 $0xFFFFD800, s15;
	[sflag:s2] =	ssyncadd.s32 $0xFFFFC000  }
0x8e: {  	[hbm4b:s17+s4] =	stream.linear.scatter [tilespmem:s25], [sflag:$0x7], $0x4000, $0x38;
	[tilespmem:$0x19700] =	vst v63  }
0x8f: {  	_ =	swait.ge [sflag:s11], $0x4000  }
0x90: {  	s16 =	sshra.s32 s16, $0x2;
	[sflag:s11] =	ssyncset.done $0x0  }
0x91: {  	s17 =	sadd.s32 $0x500, s16;
	[sflag:s11] =	ssyncadd.s32 $0xFFFFC000  }
0x92: {  	[tilespmem:s1], [sflag:$0x5] =	stream.indirect.gather [spmem:s3], $0x80, s17, s24, $0xb8;
	[tilespmem:$0x19700] =	vst v63  }
0x93: {  	_ =	swait.ge [sflag:s28], $0x4000  }
0x94: {  	[sflag:s28] =	ssyncset.done $0x0  }
0x95: {  	s17 =	sadd.s32 $0xFFFFE000, s15;
	[sflag:s28] =	ssyncadd.s32 $0xFFFFC000  }
0x96: {  	[hbm4b:s17+s4] =	stream.linear.scatter [tilespmem:s26], [sflag:$0x8], $0x4000, $0x38;
	[tilespmem:$0x19700] =	vst v63  }
0x97: {  	_ =	swait.ge [sflag:s12], $0x4000  }
0x98: {  	[sflag:s12] =	ssyncset.done $0x0  }
0x99: {  	s17 =	sadd.s32 $0x580, s16;
	[sflag:s12] =	ssyncadd.s32 $0xFFFFC000  }
0x9a: {  	[tilespmem:s0], [sflag:$0x6] =	stream.indirect.gather [spmem:s3], $0x80, s17, s24, $0xb8;
	[tilespmem:$0x19700] =	vst v63  }
0x9b: {  	_ =	swait.ge [sflag:s30], $0x4000  }
0x9c: {  	[sflag:s30] =	ssyncset.done $0x0  }
0x9d: {  	s17 =	sadd.s32 $0xFFFFE800, s15;
	[sflag:s30] =	ssyncadd.s32 $0xFFFFC000  }
0x9e: {  	[hbm4b:s17+s4] =	stream.linear.scatter [tilespmem:s29], [sflag:$0x9], $0x4000, $0x38;
	[tilespmem:$0x19700] =	vst v63  }
0x9f: {  	_ =	swait.ge [sflag:s22], $0x4000  }
0xa0: {  	[sflag:s22] =	ssyncset.done $0x0  }
0xa1: {  	s17 =	sadd.s32 $0x600, s16;
	[sflag:s22] =	ssyncadd.s32 $0xFFFFC000  }
0xa2: {  	[tilespmem:s25], [sflag:$0x1] =	stream.indirect.gather [spmem:s3], $0x80, s17, s24, $0xb8;
	[tilespmem:$0x19700] =	vst v63  }
0xa3: {  	_ =	swait.ge [sflag:s5], $0x4000  }
0xa4: {  	[sflag:s5] =	ssyncset.done $0x0  }
0xa5: {  	s17 =	sadd.s32 $0xFFFFF000, s15;
	[sflag:s5] =	ssyncadd.s32 $0xFFFFC000  }
0xa6: {  	[hbm4b:s17+s4] =	stream.linear.scatter [tilespmem:s31], [sflag:$0xA], $0x4000, $0x38;
	[tilespmem:$0x19700] =	vst v63  }
0xa7: {  	_ =	swait.ge [sflag:s23], $0x4000  }
0xa8: {  	[sflag:s23] =	ssyncset.done $0x0  }
0xa9: {  	s17 =	sadd.s32 $0x680, s16;
	[sflag:s23] =	ssyncadd.s32 $0xFFFFC000  }
0xaa: {  	[tilespmem:s26], [sflag:$0x2] =	stream.indirect.gather [spmem:s3], $0x80, s17, s24, $0xb8;
	[tilespmem:$0x19700] =	vst v63  }
0xab: {  	_ =	swait.ge [sflag:s7], $0x4000  }
0xac: {  	[sflag:s7] =	ssyncset.done $0x0  }
0xad: {  	s17 =	sadd.s32 $0xFFFFF800, s15;
	[sflag:s7] =	ssyncadd.s32 $0xFFFFC000  }
0xae: {  	[hbm4b:s17+s4] =	stream.linear.scatter [tilespmem:s1], [sflag:$0xB], $0x4000, $0x38;
	[tilespmem:$0x19700] =	vst v63  }
0xaf: {  	_ =	swait.ge [sflag:s8], $0x4000  }
0xb0: {  	[sflag:s8] =	ssyncset.done $0x0  }
0xb1: {  	s17 =	sadd.s32 $0x700, s16;
	[sflag:s8] =	ssyncadd.s32 $0xFFFFC000  }
0xb2: {  	[tilespmem:s29], [sflag:$0x3] =	stream.indirect.gather [spmem:s3], $0x80, s17, s24, $0xb8;
	[tilespmem:$0x19700] =	vst v63  }
0xb3: {  	_ =	swait.ge [sflag:s9], $0x4000  }
0xb4: {  	[sflag:s9] =	ssyncset.done $0x0  }
.Ltmp0:
0xb5: {  	[sflag:s9] =	ssyncadd.s32 $0xFFFFC000;
	(pc) =	sbr.rel @p0 .LBB2_2-.Ltmp0, $4  }
0xb6: {  	[hbm4b:s15+s4] =	stream.linear.scatter [tilespmem:s0], [sflag:$0xC], $0x4000, $0x38;
	[tilespmem:$0x19700] =	vst v63  }
0xb7: {  	_ =	swait.ge [sflag:s10], $0x4000  }
0xb8: {  	[sflag:s10] =	ssyncset.done $0x0  }
0xb9: {  	s16 =	sadd.s32 $0x780, s16;
	s15 =	sadd.s32 $0x3000, s15;
	[sflag:s10] =	ssyncadd.s32 $0xFFFFC000  }
0xba: {  	[tilespmem:s31], [sflag:$0x4] =	stream.indirect.gather [spmem:s3], $0x80, s16, s24, $0xb8;
	[tilespmem:$0x19700] =	vst v63  }
0xbb: {  	_ =	swait.ge [sflag:s2], $0x4000  }
0xbc: {  	[sflag:s2] =	ssyncset.done $0x0  }
0xbd: {  	s14 =	rddreg [dreg:$0xc];
	[sflag:s2] =	ssyncadd.s32 $0xFFFFC000  }
0xbe: {  	[hbm4b:s14+s4] =	stream.linear.scatter [tilespmem:s25], [sflag:$0x7], $0x4000, $0x38;
	[tilespmem:$0x19700] =	vst v63  }
0xbf: {  	_ =	swait.ge [sflag:s11], $0x4000  }
0xc0: {  	[sflag:s11] =	ssyncset.done $0x0  }
0xc1: {  	s15 =	simm.s32 $0x1100;
	[sflag:s11] =	ssyncadd.s32 $0xFFFFC000  }
0xc2: {  	[tilespmem:s1], [sflag:$0x5] =	stream.indirect.gather [spmem:s3], $0x80, s15, s24, $0xb8;
	[tilespmem:$0x19700] =	vst v63  }
0xc3: {  	_ =	swait.ge [sflag:s28], $0x4000  }
0xc4: {  	[sflag:s28] =	ssyncset.done $0x0  }
0xc5: {  	s16 =	rddreg [dreg:$0xd];
	[sflag:s28] =	ssyncadd.s32 $0xFFFFC000  }
0xc6: {  	[hbm4b:s16+s4] =	stream.linear.scatter [tilespmem:s26], [sflag:$0x8], $0x4000, $0x38;
	[tilespmem:$0x19700] =	vst v63  }
0xc7: {  	_ =	swait.ge [sflag:s12], $0x4000  }
0xc8: {  	[sflag:s12] =	ssyncset.done $0x0  }
0xc9: {  	s17 =	simm.s32 $0x1180;
	[sflag:s12] =	ssyncadd.s32 $0xFFFFC000  }
0xca: {  	[tilespmem:s0], [sflag:$0x6] =	stream.indirect.gather [spmem:s3], $0x80, s17, s24, $0xb8;
	[tilespmem:$0x19700] =	vst v63  }
0xcb: {  	_ =	swait.ge [sflag:s30], $0x4000  }
0xcc: {  	[sflag:s30] =	ssyncset.done $0x0  }
0xcd: {  	s15 =	rddreg [dreg:$0xe];
	[sflag:s30] =	ssyncadd.s32 $0xFFFFC000  }
0xce: {  	[hbm4b:s15+s4] =	stream.linear.scatter [tilespmem:s29], [sflag:$0x9], $0x4000, $0x38;
	[tilespmem:$0x19700] =	vst v63  }
0xcf: {  	_ =	swait.ge [sflag:s5], $0x4000  }
0xd0: {  	[sflag:s5] =	ssyncset.done $0x0  }
0xd1: {  	s16 =	rddreg [dreg:$0xf];
	[sflag:s5] =	ssyncadd.s32 $0xFFFFC000  }
0xd2: {  	[hbm4b:s16+s4] =	stream.linear.scatter [tilespmem:s31], [sflag:$0xA], $0x4000, $0x38;
	[tilespmem:$0x19700] =	vst v63  }
0xd3: {  	_ =	swait.ge [sflag:s7], $0x4000  }
0xd4: {  	[sflag:s7] =	ssyncset.done $0x0  }
0xd5: {  	s17 =	rddreg [dreg:$0x10];
	[sflag:s7] =	ssyncadd.s32 $0xFFFFC000  }
0xd6: {  	[hbm4b:s17+s4] =	stream.linear.scatter [tilespmem:s1], [sflag:$0xB], $0x4000, $0x38;
	[tilespmem:$0x19700] =	vst v63  }
0xd7: {  	_ =	swait.ge [sflag:s9], $0x4000  }
0xd8: {  	[sflag:s9] =	ssyncset.done $0x0  }
0xd9: {  	[sflag:s9] =	ssyncadd.s32 $0xFFFFC000  }
0xda: {  	[hbm4b:s18+s4] =	stream.linear.scatter [tilespmem:s0], [sflag:$0xC], $0x4000, $0x38;
	[tilespmem:$0x19700] =	vst v63  }
0xdb: {  	_ =	swait.ge [sflag:s22], $0x4000  }
0xdc: {  	[sflag:s22] =	ssyncset.done $0x0  }
0xdd: {  	[sflag:s22] =	ssyncadd.s32 $0xFFFFC000  }
0xde: {  	_ =	swait.ge [sflag:s23], $0x4000  }
0xdf: {  	[sflag:s23] =	ssyncset.done $0x0  }
0xe0: {  	[sflag:s23] =	ssyncadd.s32 $0xFFFFC000  }
0xe1: {  	_ =	swait.ge [sflag:s8], $0x4000  }
0xe2: {  	[sflag:s8] =	ssyncset.done $0x0  }
0xe3: {  	[sflag:s8] =	ssyncadd.s32 $0xFFFFC000  }
0xe4: {  	_ =	swait.ge [sflag:s10], $0x4000  }
0xe5: {  	[sflag:s10] =	ssyncset.done $0x0  }
0xe6: {  	s13 =	sadd.s32 $0x1, s13;
	[sflag:s10] =	ssyncadd.s32 $0xFFFFC000  }
0xe7: {  	p0 =	sne.s32 s13, s19;
	_ =	swait.ge [sflag:s11], $0x4000  }
.Ltmp1:
0xe8: {  	[sflag:s11] =	ssyncset.done $0x0;
	(pc) =	sbr.rel @p0 .LBB2_1-.Ltmp1, $4  }
0xe9: {  	[sflag:s11] =	ssyncadd.s32 $0xFFFFC000  }
0xea: {  	_ =	swait.ge [sflag:s12], $0x4000  }
0xeb: {  	[sflag:s12] =	ssyncset.done $0x0  }
0xec: {  	[sflag:s12] =	ssyncadd.s32 $0xFFFFC000  }
0xed: {  	_ =	sfence.sel $0x180000  }
0xee: {  	[bflag:$0x0] =	sbarrier.arrive $0xFFFF  }
0xef: {  	_ =	strace $0x90000047  }
0xf0: {  	s0 =	stileid.u32;
	[bflag:$0x2] =	sbarrier.arrive $0xFFFF  }
0xf1: {  	p0 =	sne.s32 s0, $0x0;
	s0 =	rddreg [dreg:$0x4]  }
0xf2: {  	s0 =	sadd.s32 @!p0 $0x100000, s0  }
0xf3: {  	[sflag:s0] =	ssyncadd.tile.s32 @!p0 $0x1;
	_ =	shalt  }
.Lfunc_end2:
_tile_overlayer_lowered:
.L_overlay_start_2:
0xf4: {  	(tag) =	ssettag $0x2  }
0xf5: {  	s0 =	rddreg [dreg:$0x0];
	s2 =	stileid.u32  }
0xf6: {  	s1 =	rddreg [dreg:$0x1];
	p0 =	sne.s32 s2, $0x0  }
0xf7: {  	s3 =	rddreg [dreg:$0x2];
	[bflag:$0x3] =	sbarrier.arrive $0xFFFF;
	s2 =	simm.s32 @!p0 $0x1C0D  }
0xf8: {  	[timem:s3], [sflag:s2] =	dma.local @!p0 [hbm:s0], s1  }
0xf9: {  	s0 =	simm.s32 @!p0 $0xD  }
0xfa: {  	_ =	swait.ge @!p0 [sflag:s0], s1  }
0xfb: {  	s1 =	ssub.s32 @!p0 $0x0, s1;
	[sflag:s0] =	ssyncset.done @!p0 $0x0  }
0xfc: {  	[sflag:s0] =	ssyncadd.s32 @!p0 s1  }
0xfd: {  	[bflag:$0x3] =	sbarrier.arrive $0xFFFF  }
0xfe: {  	_ =	shalt  }

</sc_bundles>
